<compile_context>
chip_gen: v7x
topology: tpu7x:2x2x1
jax: 0.10.2.dev20260603
libtpu: 0.0.44.dev20260713+nightly
codegen_flags: <defaults>
</compile_context>

<pallas_src>
import functools

import jax
import jax.numpy as jnp
import numpy as np
from jax import lax
from jax.experimental import pallas as pl
from jax.experimental.pallas import tpu as pltpu
from jax.experimental.pallas import tpu_sc as plsc

L = 16
BINS = 256
NSUB = 16
BIG_I = np.int32(2**30)

_mesh = plsc.VectorSubcoreMesh(core_axis_name="c", subcore_axis_name="s",
                               num_cores=1, num_subcores=NSUB)


@functools.partial(
    pl.kernel,
    out_type=jax.ShapeDtypeStruct((L,), jnp.int32),
    mesh=_mesh,
    compiler_params=pltpu.CompilerParams(needs_layout_passes=False,
                                         skip_device_barrier=True),
    scratch_types=[
        pltpu.VMEM((BINS,), jnp.float32),
        pltpu.VMEM((BINS,), jnp.float32),
        pltpu.VMEM((BINS,), jnp.float32),
        pltpu.VMEM((BINS,), jnp.float32),
        pltpu.VMEM((2 * L,), jnp.float32),
        pltpu.VMEM_SHARED((NSUB * 2 * L,), jnp.float32),
        pltpu.VMEM((NSUB * 2 * L,), jnp.float32),
        pltpu.VMEM((L,), jnp.int32),
    ],
)
def _otsu_sc(hist_hbm, out_hbm, hist_v, p0_v, p1_v, gt_v, pk_v,
             sh_pk, g_pk, out_v):
    cid = lax.axis_index("c")
    sid = lax.axis_index("s")

    @pl.when(cid == 0)
    def _body():
        pltpu.sync_copy(hist_hbm, hist_v)

        iota_i = lax.iota(jnp.int32, L)
        iota_f = iota_i.astype(jnp.float32)

        carry0 = jnp.float32(0.0)
        carry1 = jnp.float32(0.0)
        for j in range(BINS // L):
            v = hist_v[pl.ds(L * j, L)]
            w = v * (iota_f + jnp.float32(L * j))
            cs0 = jnp.cumsum(v)
            cs1 = jnp.cumsum(w)
            p0_v[pl.ds(L * j, L)] = cs0 - v + carry0
            p1_v[pl.ds(L * j, L)] = cs1 - w + carry1
            carry0 = carry0 + cs0[L - 1]
            carry1 = carry1 + cs1[L - 1]
        tot0 = carry0
        tot1 = carry1

        for j in range(BINS // L):
            gt_v[pl.ds(L * j, L)] = tot0 * p1_v[pl.ds(L * j, L)] \
                - tot1 * p0_v[pl.ds(L * j, L)]

        def row_body(r, carry):
            bv_r, bi_r = carry
            t1 = 1 + sid + NSUB * r
            t1c = jnp.minimum(t1, BINS - 1)
            baser = jnp.bitwise_and(t1c, np.int32(~(L - 1)))
            lanem = lax.iota(jnp.int32, L) == jnp.bitwise_and(t1c, np.int32(L - 1))
            s0 = jnp.sum(jnp.where(lanem, p0_v[pl.ds(baser, L)], np.float32(0.0)))
            s1 = jnp.sum(jnp.where(lanem, p1_v[pl.ds(baser, L)], np.float32(0.0)))
            cstart = lax.shift_right_logical(t1 + 1, 4)
            kk = s1 * tot0 - s0 * tot1

            def eval_chunk(c, bv2, bi2):
                base = c * L
                p0c = p0_v[pl.ds(base, L)]
                p1c = p1_v[pl.ds(base, L)]
                gc = gt_v[pl.ds(base, L)]
                t2 = base + iota_i
                n1 = p0c - s0
                n2 = tot0 - p0c
                a = s1 * p0c - s0 * p1c
                b = kk - a
                cc = gc - b
                num = n2 * (a * a) + n1 * (b * b) + s0 * (cc * cc)
                den = s0 * n1 * n2
                var = num / den
                bad = (var != var) | (den == np.float32(0.0))
                var = jnp.where(bad, np.float32(0.0), var)
                var = jnp.where(t2 > t1, var, np.float32(-1.0))
                idx = t1 * BINS + t2
                upd = var > bv2
                return (jnp.where(upd, var, bv2), jnp.where(upd, idx, bi2))

            def chunk2_body(c, carry2):
                bva, bia, bvb, bib = carry2
                bva, bia = eval_chunk(c, bva, bia)
                bvb, bib = eval_chunk(c + 1, bvb, bib)
                return (bva, bia, bvb, bib)

            cstart_e = jnp.bitwise_and(cstart, np.int32(~1))
            bva, bia, bvb, bib = plsc.parallel_loop(
                cstart_e, BINS // L, step=2, unroll=4,
                carry=(bv_r, bi_r,
                       jnp.full((L,), -2.0, jnp.float32),
                       jnp.full((L,), BIG_I, jnp.int32)))(chunk2_body)
            mrg = (bvb > bva) | ((bvb == bva) & (bib < bia))
            return (jnp.where(mrg, bvb, bva), jnp.where(mrg, bib, bia))

        bv0 = jnp.full((L,), -2.0, jnp.float32)
        bi0 = jnp.full((L,), BIG_I, jnp.int32)
        bv, bi = lax.fori_loop(0, BINS // (L * NSUB) * NSUB, row_body,
                               (bv0, bi0))

        pk_v[pl.ds(0, L)] = bv
        pk_v[pl.ds(L, L)] = plsc.bitcast(bi, jnp.float32)
        pltpu.sync_copy(pk_v, sh_pk.at[pl.ds(sid * 2 * L, 2 * L)])
        plsc.subcore_barrier()

        @pl.when(sid == 0)
        def _finalize():
            pltpu.sync_copy(sh_pk, g_pk)
            fbv = g_pk[pl.ds(0, L)]
            fbi = plsc.bitcast(g_pk[pl.ds(L, L)], jnp.int32)
            for srow in range(1, NSUB):
                v2 = g_pk[pl.ds(srow * 2 * L, L)]
                i2 = plsc.bitcast(g_pk[pl.ds(srow * 2 * L + L, L)], jnp.int32)
                upd = (v2 > fbv) | ((v2 == fbv) & (i2 < fbi))
                fbv = jnp.where(upd, v2, fbv)
                fbi = jnp.where(upd, i2, fbi)
            vmax = jnp.max(fbv)
            idxs = jnp.where(fbv == vmax, fbi, BIG_I)
            idx = jnp.min(idxs)
            t1 = lax.shift_right_logical(idx, 8)
            t2 = idx & jnp.int32(BINS - 1)
            outv = jnp.where(iota_i == 0, t1 - 1,
                             jnp.where(iota_i == 1, t2 - 1, jnp.int32(0)))
            out_v[...] = outv
            pltpu.sync_copy(out_v, out_hbm)


def kernel(input, mask, threshold_indices):
    del mask, threshold_indices
    out = _otsu_sc(input)
    return (out[0], out[1])

# --- scband reference (transcript-rebuilt; emitter-appended) ---
"""Pipeline reference for scband-multi-otsu-threshold-25967372272246 (READ-ONLY COPY).

The authoritative reference and input builder live on the scoring server;
editing this copy changes nothing except your own understanding.
"""

import jax, jax.numpy as jnp
import numpy as np
import itertools

MIN_VAL = 0
MAX_VAL = 256
N_CLASS = 3
BINS = MAX_VAL - MIN_VAL


def _build_buffers():
    # combinations of (n_class-1) thresholds drawn from range(1, BINS)
    combos = np.array(list(itertools.combinations(range(1, BINS), N_CLASS - 1)), dtype=np.int64)  # [C, n_class-1]
    bins = np.arange(BINS, dtype=np.int64)
    # mask_idx[i, b] = number of thresholds in combo i that are <= b  (class id of bin b)
    mask_idx = (bins[None, None, :] >= combos[:, :, None]).sum(axis=1)  # [C, BINS]
    mask = np.stack([(mask_idx == i) for i in range(N_CLASS)], axis=0).astype(np.float32)  # [N_CLASS, C, BINS]
    # threshold_indices[i] per torch code telescopes to combos[:, i] - 1
    threshold_indices = combos - 1  # [C, n_class-1]
    return jnp.asarray(mask), jnp.asarray(threshold_indices)


def setup_inputs(seed: int = 0) -> dict:
    key = jax.random.key(seed)
    hist = jax.random.uniform(key, (BINS,), dtype=jnp.float32)
    mask, threshold_indices = _build_buffers()
    return {"input": hist, "mask": mask, "threshold_indices": threshold_indices}


def reference(input, mask, threshold_indices):
    hist = input
    cls_val = jnp.arange(MIN_VAL, MAX_VAL, dtype=jnp.float32)  # [BINS]
    masked_hist_class = hist * cls_val * mask  # [N_CLASS, C, BINS]
    masked_hist = hist * mask                  # [N_CLASS, C, BINS]
    fc_sum = jnp.sum(masked_hist_class, axis=2)  # [N_CLASS, C]
    num = jnp.sum(masked_hist, axis=2)           # [N_CLASS, C]
    mean = fc_sum / num
    C = mask.shape[1]
    var_hist = jnp.zeros((C,), dtype=jnp.float32)
    for i, j in itertools.combinations(range(N_CLASS), 2):
        var_hist = var_hist + num[i, :] * num[j, :] * (mean[i, :] - mean[j, :]) ** 2
    var_hist = jnp.where(jnp.isnan(var_hist), jnp.zeros((), dtype=jnp.float32), var_hist)
    thresh_idx = jnp.argmax(var_hist)
    thresholds = tuple(threshold_indices[thresh_idx, i] for i in range(N_CLASS - 1))
    return thresholds

if __name__ == "__main__":
    import jax
    _d = setup_inputs()
    print(jax.jit(kernel)(*tuple(_d.values())))

</pallas_src>

<mosaic_0001>
#map = affine_map<(d0, d1) -> (0)>
module attributes {stable_mosaic.version = 14 : i64} {
  func.func @_otsu_sc(%arg0: i32, %arg1: i32, %arg2: memref<256xf32, #tpu.memory_space<hbm>>, %arg3: memref<16xi32, #tpu.memory_space<hbm>>, %arg4: memref<256xf32, #tpu.memory_space<vmem>>, %arg5: memref<256xf32, #tpu.memory_space<vmem>>, %arg6: memref<256xf32, #tpu.memory_space<vmem>>, %arg7: memref<256xf32, #tpu.memory_space<vmem>>, %arg8: memref<32xf32, #tpu.memory_space<vmem>>, %arg9: memref<512xf32, #tpu.memory_space<vmem_shared>>, %arg10: memref<512xf32, #tpu.memory_space<vmem>>, %arg11: memref<16xi32, #tpu.memory_space<vmem>>) attributes {dimension_semantics = [#tpu.dimension_semantics<core_parallel>, #tpu.dimension_semantics<subcore_parallel>], iteration_bounds = array<i64: 1, 16>, scalar_prefetch = 0 : i64, scratch_operands = 8 : i64, tpu.core_type = #tpu.core_type<sc_vector_subcore>, window_params = [{transform_indices = #map}, {transform_indices = #map}]} {
    %eq3A = arith.constant 0 : i32
    %eq3A_0 = arith.cmpi eq, %arg0, %eq3A : i32
    %convert_element_type3A = arith.extui %eq3A_0 : i1 to i32
    %cond3A = arith.constant 0 : i32
    %cond3A_1 = arith.cmpi ne, %convert_element_type3A, %cond3A : i32
    scf.if %cond3A_1 {
      "tpu.region"() ({
        %run_scoped3A = tpu.sem_alloc : memref<!tpu.dma_semaphore, #tpu.memory_space<semaphore_mem>>
        tpu.enqueue_dma source(%arg2 : memref<256xf32, #tpu.memory_space<hbm>>) target(%arg4 : memref<256xf32, #tpu.memory_space<vmem>>) target_semaphore(%run_scoped3A : memref<!tpu.dma_semaphore, #tpu.memory_space<semaphore_mem>>)
        tpu.wait_dma2 semaphore(%run_scoped3A : memref<!tpu.dma_semaphore, #tpu.memory_space<semaphore_mem>>) src(%arg2 : memref<256xf32, #tpu.memory_space<hbm>>) dst(%arg4 : memref<256xf32, #tpu.memory_space<vmem>>)
        tpu.yield
      }) : () -> ()
      %iota3A = tpu.iota {dimensions = array<i32: 0>} : vector<16xi32>
      %convert_element_type3A_2 = arith.sitofp %iota3A : vector<16xi32> to vector<16xf32>
      %get3A = arith.constant 0 : index
      %get3A_3 = tpu.vector_load %arg4[%get3A] {strides = array<i32>} : memref<256xf32, #tpu.memory_space<vmem>>, vector<16xf32>,
      %add3A = arith.constant 0.000000e+00 : f32
      %add3A_4 = vector.broadcast %add3A : f32 to vector<16xf32>
      %add3A_5 = arith.addf %convert_element_type3A_2, %add3A_4 : vector<16xf32>
      %mul3A = arith.mulf %get3A_3, %add3A_5 : vector<16xf32>
      %cumsum3A = arith.constant true
      %cumsum3A_6 = vector.broadcast %cumsum3A : i1 to vector<16xi1>
      %cumsum3A_7 = tpu.scan <sum>, %get3A_3 masked %cumsum3A_6 : vector<16xf32>, vector<16xi1> -> vector<16xf32>
      %cumsum3A_8 = arith.constant true
      %cumsum3A_9 = vector.broadcast %cumsum3A_8 : i1 to vector<16xi1>
      %cumsum3A_10 = tpu.scan <sum>, %mul3A masked %cumsum3A_9 : vector<16xf32>, vector<16xi1> -> vector<16xf32>
      %sub3A = arith.subf %cumsum3A_7, %get3A_3 : vector<16xf32>
      %add3A_11 = arith.constant 0.000000e+00 : f32
      %add3A_12 = vector.broadcast %add3A_11 : f32 to vector<16xf32>
      %add3A_13 = arith.addf %sub3A, %add3A_12 : vector<16xf32>
      %swap3A = arith.constant 0 : index
      %swap3A_14 = tpu.vector_load %arg5[%swap3A] {strides = array<i32>} : memref<256xf32, #tpu.memory_space<vmem>>, vector<16xf32>,
      tpu.vector_store %arg5[%swap3A], %add3A_13 {strides = array<i32>} : memref<256xf32, #tpu.memory_space<vmem>>, vector<16xf32>,
      %sub3A_15 = arith.subf %cumsum3A_10, %mul3A : vector<16xf32>
      %add3A_16 = arith.constant 0.000000e+00 : f32
      %add3A_17 = vector.broadcast %add3A_16 : f32 to vector<16xf32>
      %add3A_18 = arith.addf %sub3A_15, %add3A_17 : vector<16xf32>
      %swap3A_19 = arith.constant 0 : index
      %swap3A_20 = tpu.vector_load %arg6[%swap3A_19] {strides = array<i32>} : memref<256xf32, #tpu.memory_space<vmem>>, vector<16xf32>,
      tpu.vector_store %arg6[%swap3A_19], %add3A_18 {strides = array<i32>} : memref<256xf32, #tpu.memory_space<vmem>>, vector<16xf32>,
      %slice3A = vector.extract_strided_slice %cumsum3A_7 {offsets = [15], sizes = [1], strides = [1]} : vector<16xf32> to vector<1xf32>
      %squeeze3A = vector.extract %slice3A[0] : f32 from vector<1xf32>
      %add3A_21 = arith.constant 0.000000e+00 : f32
      %add3A_22 = arith.addf %add3A_21, %squeeze3A : f32
      %slice3A_23 = vector.extract_strided_slice %cumsum3A_10 {offsets = [15], sizes = [1], strides = [1]} : vector<16xf32> to vector<1xf32>
      %squeeze3A_24 = vector.extract %slice3A_23[0] : f32 from vector<1xf32>
      %add3A_25 = arith.constant 0.000000e+00 : f32
      %add3A_26 = arith.addf %add3A_25, %squeeze3A_24 : f32
      %get3A_27 = arith.constant 16 : index
      %get3A_28 = tpu.vector_load %arg4[%get3A_27] {strides = array<i32>} : memref<256xf32, #tpu.memory_space<vmem>>, vector<16xf32>,
      %add3A_29 = arith.constant 1.600000e+01 : f32
      %add3A_30 = vector.broadcast %add3A_29 : f32 to vector<16xf32>
      %add3A_31 = arith.addf %convert_element_type3A_2, %add3A_30 : vector<16xf32>
      %mul3A_32 = arith.mulf %get3A_28, %add3A_31 : vector<16xf32>
      %cumsum3A_33 = arith.constant true
      %cumsum3A_34 = vector.broadcast %cumsum3A_33 : i1 to vector<16xi1>
      %cumsum3A_35 = tpu.scan <sum>, %get3A_28 masked %cumsum3A_34 : vector<16xf32>, vector<16xi1> -> vector<16xf32>
      %cumsum3A_36 = arith.constant true
      %cumsum3A_37 = vector.broadcast %cumsum3A_36 : i1 to vector<16xi1>
      %cumsum3A_38 = tpu.scan <sum>, %mul3A_32 masked %cumsum3A_37 : vector<16xf32>, vector<16xi1> -> vector<16xf32>
      %sub3A_39 = arith.subf %cumsum3A_35, %get3A_28 : vector<16xf32>
      %add3A_40 = vector.broadcast %add3A_22 : f32 to vector<16xf32>
      %add3A_41 = arith.addf %sub3A_39, %add3A_40 : vector<16xf32>
      %swap3A_42 = arith.constant 16 : index
      %swap3A_43 = tpu.vector_load %arg5[%swap3A_42] {strides = array<i32>} : memref<256xf32, #tpu.memory_space<vmem>>, vector<16xf32>,
      tpu.vector_store %arg5[%swap3A_42], %add3A_41 {strides = array<i32>} : memref<256xf32, #tpu.memory_space<vmem>>, vector<16xf32>,
      %sub3A_44 = arith.subf %cumsum3A_38, %mul3A_32 : vector<16xf32>
      %add3A_45 = vector.broadcast %add3A_26 : f32 to vector<16xf32>
      %add3A_46 = arith.addf %sub3A_44, %add3A_45 : vector<16xf32>
      %swap3A_47 = arith.constant 16 : index
      %swap3A_48 = tpu.vector_load %arg6[%swap3A_47] {strides = array<i32>} : memref<256xf32, #tpu.memory_space<vmem>>, vector<16xf32>,
      tpu.vector_store %arg6[%swap3A_47], %add3A_46 {strides = array<i32>} : memref<256xf32, #tpu.memory_space<vmem>>, vector<16xf32>,
      %slice3A_49 = vector.extract_strided_slice %cumsum3A_35 {offsets = [15], sizes = [1], strides = [1]} : vector<16xf32> to vector<1xf32>
      %squeeze3A_50 = vector.extract %slice3A_49[0] : f32 from vector<1xf32>
      %add3A_51 = arith.addf %add3A_22, %squeeze3A_50 : f32
      %slice3A_52 = vector.extract_strided_slice %cumsum3A_38 {offsets = [15], sizes = [1], strides = [1]} : vector<16xf32> to vector<1xf32>
      %squeeze3A_53 = vector.extract %slice3A_52[0] : f32 from vector<1xf32>
      %add3A_54 = arith.addf %add3A_26, %squeeze3A_53 : f32
      %get3A_55 = arith.constant 32 : index
      %get3A_56 = tpu.vector_load %arg4[%get3A_55] {strides = array<i32>} : memref<256xf32, #tpu.memory_space<vmem>>, vector<16xf32>,
      %add3A_57 = arith.constant 3.200000e+01 : f32
      %add3A_58 = vector.broadcast %add3A_57 : f32 to vector<16xf32>
      %add3A_59 = arith.addf %convert_element_type3A_2, %add3A_58 : vector<16xf32>
      %mul3A_60 = arith.mulf %get3A_56, %add3A_59 : vector<16xf32>
      %cumsum3A_61 = arith.constant true
      %cumsum3A_62 = vector.broadcast %cumsum3A_61 : i1 to vector<16xi1>
      %cumsum3A_63 = tpu.scan <sum>, %get3A_56 masked %cumsum3A_62 : vector<16xf32>, vector<16xi1> -> vector<16xf32>
      %cumsum3A_64 = arith.constant true
      %cumsum3A_65 = vector.broadcast %cumsum3A_64 : i1 to vector<16xi1>
      %cumsum3A_66 = tpu.scan <sum>, %mul3A_60 masked %cumsum3A_65 : vector<16xf32>, vector<16xi1> -> vector<16xf32>
      %sub3A_67 = arith.subf %cumsum3A_63, %get3A_56 : vector<16xf32>
      %add3A_68 = vector.broadcast %add3A_51 : f32 to vector<16xf32>
      %add3A_69 = arith.addf %sub3A_67, %add3A_68 : vector<16xf32>
      %swap3A_70 = arith.constant 32 : index
      %swap3A_71 = tpu.vector_load %arg5[%swap3A_70] {strides = array<i32>} : memref<256xf32, #tpu.memory_space<vmem>>, vector<16xf32>,
      tpu.vector_store %arg5[%swap3A_70], %add3A_69 {strides = array<i32>} : memref<256xf32, #tpu.memory_space<vmem>>, vector<16xf32>,
      %sub3A_72 = arith.subf %cumsum3A_66, %mul3A_60 : vector<16xf32>
      %add3A_73 = vector.broadcast %add3A_54 : f32 to vector<16xf32>
      %add3A_74 = arith.addf %sub3A_72, %add3A_73 : vector<16xf32>
      %swap3A_75 = arith.constant 32 : index
      %swap3A_76 = tpu.vector_load %arg6[%swap3A_75] {strides = array<i32>} : memref<256xf32, #tpu.memory_space<vmem>>, vector<16xf32>,
      tpu.vector_store %arg6[%swap3A_75], %add3A_74 {strides = array<i32>} : memref<256xf32, #tpu.memory_space<vmem>>, vector<16xf32>,
      %slice3A_77 = vector.extract_strided_slice %cumsum3A_63 {offsets = [15], sizes = [1], strides = [1]} : vector<16xf32> to vector<1xf32>
      %squeeze3A_78 = vector.extract %slice3A_77[0] : f32 from vector<1xf32>
      %add3A_79 = arith.addf %add3A_51, %squeeze3A_78 : f32
      %slice3A_80 = vector.extract_strided_slice %cumsum3A_66 {offsets = [15], sizes = [1], strides = [1]} : vector<16xf32> to vector<1xf32>
      %squeeze3A_81 = vector.extract %slice3A_80[0] : f32 from vector<1xf32>
      %add3A_82 = arith.addf %add3A_54, %squeeze3A_81 : f32
      %get3A_83 = arith.constant 48 : index
      %get3A_84 = tpu.vector_load %arg4[%get3A_83] {strides = array<i32>} : memref<256xf32, #tpu.memory_space<vmem>>, vector<16xf32>,
      %add3A_85 = arith.constant 4.800000e+01 : f32
      %add3A_86 = vector.broadcast %add3A_85 : f32 to vector<16xf32>
      %add3A_87 = arith.addf %convert_element_type3A_2, %add3A_86 : vector<16xf32>
      %mul3A_88 = arith.mulf %get3A_84, %add3A_87 : vector<16xf32>
      %cumsum3A_89 = arith.constant true
      %cumsum3A_90 = vector.broadcast %cumsum3A_89 : i1 to vector<16xi1>
      %cumsum3A_91 = tpu.scan <sum>, %get3A_84 masked %cumsum3A_90 : vector<16xf32>, vector<16xi1> -> vector<16xf32>
      %cumsum3A_92 = arith.constant true
      %cumsum3A_93 = vector.broadcast %cumsum3A_92 : i1 to vector<16xi1>
      %cumsum3A_94 = tpu.scan <sum>, %mul3A_88 masked %cumsum3A_93 : vector<16xf32>, vector<16xi1> -> vector<16xf32>
      %sub3A_95 = arith.subf %cumsum3A_91, %get3A_84 : vector<16xf32>
      %add3A_96 = vector.broadcast %add3A_79 : f32 to vector<16xf32>
      %add3A_97 = arith.addf %sub3A_95, %add3A_96 : vector<16xf32>
      %swap3A_98 = arith.constant 48 : index
      %swap3A_99 = tpu.vector_load %arg5[%swap3A_98] {strides = array<i32>} : memref<256xf32, #tpu.memory_space<vmem>>, vector<16xf32>,
      tpu.vector_store %arg5[%swap3A_98], %add3A_97 {strides = array<i32>} : memref<256xf32, #tpu.memory_space<vmem>>, vector<16xf32>,
      %sub3A_100 = arith.subf %cumsum3A_94, %mul3A_88 : vector<16xf32>
      %add3A_101 = vector.broadcast %add3A_82 : f32 to vector<16xf32>
      %add3A_102 = arith.addf %sub3A_100, %add3A_101 : vector<16xf32>
      %swap3A_103 = arith.constant 48 : index
      %swap3A_104 = tpu.vector_load %arg6[%swap3A_103] {strides = array<i32>} : memref<256xf32, #tpu.memory_space<vmem>>, vector<16xf32>,
      tpu.vector_store %arg6[%swap3A_103], %add3A_102 {strides = array<i32>} : memref<256xf32, #tpu.memory_space<vmem>>, vector<16xf32>,
      %slice3A_105 = vector.extract_strided_slice %cumsum3A_91 {offsets = [15], sizes = [1], strides = [1]} : vector<16xf32> to vector<1xf32>
      %squeeze3A_106 = vector.extract %slice3A_105[0] : f32 from vector<1xf32>
      %add3A_107 = arith.addf %add3A_79, %squeeze3A_106 : f32
      %slice3A_108 = vector.extract_strided_slice %cumsum3A_94 {offsets = [15], sizes = [1], strides = [1]} : vector<16xf32> to vector<1xf32>
      %squeeze3A_109 = vector.extract %slice3A_108[0] : f32 from vector<1xf32>
      %add3A_110 = arith.addf %add3A_82, %squeeze3A_109 : f32
      %get3A_111 = arith.constant 64 : index
      %get3A_112 = tpu.vector_load %arg4[%get3A_111] {strides = array<i32>} : memref<256xf32, #tpu.memory_space<vmem>>, vector<16xf32>,
      %add3A_113 = arith.constant 6.400000e+01 : f32
      %add3A_114 = vector.broadcast %add3A_113 : f32 to vector<16xf32>
      %add3A_115 = arith.addf %convert_element_type3A_2, %add3A_114 : vector<16xf32>
      %mul3A_116 = arith.mulf %get3A_112, %add3A_115 : vector<16xf32>
      %cumsum3A_117 = arith.constant true
      %cumsum3A_118 = vector.broadcast %cumsum3A_117 : i1 to vector<16xi1>
      %cumsum3A_119 = tpu.scan <sum>, %get3A_112 masked %cumsum3A_118 : vector<16xf32>, vector<16xi1> -> vector<16xf32>
      %cumsum3A_120 = arith.constant true
      %cumsum3A_121 = vector.broadcast %cumsum3A_120 : i1 to vector<16xi1>
      %cumsum3A_122 = tpu.scan <sum>, %mul3A_116 masked %cumsum3A_121 : vector<16xf32>, vector<16xi1> -> vector<16xf32>
      %sub3A_123 = arith.subf %cumsum3A_119, %get3A_112 : vector<16xf32>
      %add3A_124 = vector.broadcast %add3A_107 : f32 to vector<16xf32>
      %add3A_125 = arith.addf %sub3A_123, %add3A_124 : vector<16xf32>
      %swap3A_126 = arith.constant 64 : index
      %swap3A_127 = tpu.vector_load %arg5[%swap3A_126] {strides = array<i32>} : memref<256xf32, #tpu.memory_space<vmem>>, vector<16xf32>,
      tpu.vector_store %arg5[%swap3A_126], %add3A_125 {strides = array<i32>} : memref<256xf32, #tpu.memory_space<vmem>>, vector<16xf32>,
      %sub3A_128 = arith.subf %cumsum3A_122, %mul3A_116 : vector<16xf32>
      %add3A_129 = vector.broadcast %add3A_110 : f32 to vector<16xf32>
      %add3A_130 = arith.addf %sub3A_128, %add3A_129 : vector<16xf32>
      %swap3A_131 = arith.constant 64 : index
      %swap3A_132 = tpu.vector_load %arg6[%swap3A_131] {strides = array<i32>} : memref<256xf32, #tpu.memory_space<vmem>>, vector<16xf32>,
      tpu.vector_store %arg6[%swap3A_131], %add3A_130 {strides = array<i32>} : memref<256xf32, #tpu.memory_space<vmem>>, vector<16xf32>,
      %slice3A_133 = vector.extract_strided_slice %cumsum3A_119 {offsets = [15], sizes = [1], strides = [1]} : vector<16xf32> to vector<1xf32>
      %squeeze3A_134 = vector.extract %slice3A_133[0] : f32 from vector<1xf32>
      %add3A_135 = arith.addf %add3A_107, %squeeze3A_134 : f32
      %slice3A_136 = vector.extract_strided_slice %cumsum3A_122 {offsets = [15], sizes = [1], strides = [1]} : vector<16xf32> to vector<1xf32>
      %squeeze3A_137 = vector.extract %slice3A_136[0] : f32 from vector<1xf32>
      %add3A_138 = arith.addf %add3A_110, %squeeze3A_137 : f32
      %get3A_139 = arith.constant 80 : index
      %get3A_140 = tpu.vector_load %arg4[%get3A_139] {strides = array<i32>} : memref<256xf32, #tpu.memory_space<vmem>>, vector<16xf32>,
      %add3A_141 = arith.constant 8.000000e+01 : f32
      %add3A_142 = vector.broadcast %add3A_141 : f32 to vector<16xf32>
      %add3A_143 = arith.addf %convert_element_type3A_2, %add3A_142 : vector<16xf32>
      %mul3A_144 = arith.mulf %get3A_140, %add3A_143 : vector<16xf32>
      %cumsum3A_145 = arith.constant true
      %cumsum3A_146 = vector.broadcast %cumsum3A_145 : i1 to vector<16xi1>
      %cumsum3A_147 = tpu.scan <sum>, %get3A_140 masked %cumsum3A_146 : vector<16xf32>, vector<16xi1> -> vector<16xf32>
      %cumsum3A_148 = arith.constant true
      %cumsum3A_149 = vector.broadcast %cumsum3A_148 : i1 to vector<16xi1>
      %cumsum3A_150 = tpu.scan <sum>, %mul3A_144 masked %cumsum3A_149 : vector<16xf32>, vector<16xi1> -> vector<16xf32>
      %sub3A_151 = arith.subf %cumsum3A_147, %get3A_140 : vector<16xf32>
      %add3A_152 = vector.broadcast %add3A_135 : f32 to vector<16xf32>
      %add3A_153 = arith.addf %sub3A_151, %add3A_152 : vector<16xf32>
      %swap3A_154 = arith.constant 80 : index
      %swap3A_155 = tpu.vector_load %arg5[%swap3A_154] {strides = array<i32>} : memref<256xf32, #tpu.memory_space<vmem>>, vector<16xf32>,
      tpu.vector_store %arg5[%swap3A_154], %add3A_153 {strides = array<i32>} : memref<256xf32, #tpu.memory_space<vmem>>, vector<16xf32>,
      %sub3A_156 = arith.subf %cumsum3A_150, %mul3A_144 : vector<16xf32>
      %add3A_157 = vector.broadcast %add3A_138 : f32 to vector<16xf32>
      %add3A_158 = arith.addf %sub3A_156, %add3A_157 : vector<16xf32>
      %swap3A_159 = arith.constant 80 : index
      %swap3A_160 = tpu.vector_load %arg6[%swap3A_159] {strides = array<i32>} : memref<256xf32, #tpu.memory_space<vmem>>, vector<16xf32>,
      tpu.vector_store %arg6[%swap3A_159], %add3A_158 {strides = array<i32>} : memref<256xf32, #tpu.memory_space<vmem>>, vector<16xf32>,
      %slice3A_161 = vector.extract_strided_slice %cumsum3A_147 {offsets = [15], sizes = [1], strides = [1]} : vector<16xf32> to vector<1xf32>
      %squeeze3A_162 = vector.extract %slice3A_161[0] : f32 from vector<1xf32>
      %add3A_163 = arith.addf %add3A_135, %squeeze3A_162 : f32
      %slice3A_164 = vector.extract_strided_slice %cumsum3A_150 {offsets = [15], sizes = [1], strides = [1]} : vector<16xf32> to vector<1xf32>
      %squeeze3A_165 = vector.extract %slice3A_164[0] : f32 from vector<1xf32>
      %add3A_166 = arith.addf %add3A_138, %squeeze3A_165 : f32
      %get3A_167 = arith.constant 96 : index
      %get3A_168 = tpu.vector_load %arg4[%get3A_167] {strides = array<i32>} : memref<256xf32, #tpu.memory_space<vmem>>, vector<16xf32>,
      %add3A_169 = arith.constant 9.600000e+01 : f32
      %add3A_170 = vector.broadcast %add3A_169 : f32 to vector<16xf32>
      %add3A_171 = arith.addf %convert_element_type3A_2, %add3A_170 : vector<16xf32>
      %mul3A_172 = arith.mulf %get3A_168, %add3A_171 : vector<16xf32>
      %cumsum3A_173 = arith.constant true
      %cumsum3A_174 = vector.broadcast %cumsum3A_173 : i1 to vector<16xi1>
      %cumsum3A_175 = tpu.scan <sum>, %get3A_168 masked %cumsum3A_174 : vector<16xf32>, vector<16xi1> -> vector<16xf32>
      %cumsum3A_176 = arith.constant true
      %cumsum3A_177 = vector.broadcast %cumsum3A_176 : i1 to vector<16xi1>
      %cumsum3A_178 = tpu.scan <sum>, %mul3A_172 masked %cumsum3A_177 : vector<16xf32>, vector<16xi1> -> vector<16xf32>
      %sub3A_179 = arith.subf %cumsum3A_175, %get3A_168 : vector<16xf32>
      %add3A_180 = vector.broadcast %add3A_163 : f32 to vector<16xf32>
      %add3A_181 = arith.addf %sub3A_179, %add3A_180 : vector<16xf32>
      %swap3A_182 = arith.constant 96 : index
      %swap3A_183 = tpu.vector_load %arg5[%swap3A_182] {strides = array<i32>} : memref<256xf32, #tpu.memory_space<vmem>>, vector<16xf32>,
      tpu.vector_store %arg5[%swap3A_182], %add3A_181 {strides = array<i32>} : memref<256xf32, #tpu.memory_space<vmem>>, vector<16xf32>,
      %sub3A_184 = arith.subf %cumsum3A_178, %mul3A_172 : vector<16xf32>
      %add3A_185 = vector.broadcast %add3A_166 : f32 to vector<16xf32>
      %add3A_186 = arith.addf %sub3A_184, %add3A_185 : vector<16xf32>
      %swap3A_187 = arith.constant 96 : index
      %swap3A_188 = tpu.vector_load %arg6[%swap3A_187] {strides = array<i32>} : memref<256xf32, #tpu.memory_space<vmem>>, vector<16xf32>,
      tpu.vector_store %arg6[%swap3A_187], %add3A_186 {strides = array<i32>} : memref<256xf32, #tpu.memory_space<vmem>>, vector<16xf32>,
      %slice3A_189 = vector.extract_strided_slice %cumsum3A_175 {offsets = [15], sizes = [1], strides = [1]} : vector<16xf32> to vector<1xf32>
      %squeeze3A_190 = vector.extract %slice3A_189[0] : f32 from vector<1xf32>
      %add3A_191 = arith.addf %add3A_163, %squeeze3A_190 : f32
      %slice3A_192 = vector.extract_strided_slice %cumsum3A_178 {offsets = [15], sizes = [1], strides = [1]} : vector<16xf32> to vector<1xf32>
      %squeeze3A_193 = vector.extract %slice3A_192[0] : f32 from vector<1xf32>
      %add3A_194 = arith.addf %add3A_166, %squeeze3A_193 : f32
      %get3A_195 = arith.constant 112 : index
      %get3A_196 = tpu.vector_load %arg4[%get3A_195] {strides = array<i32>} : memref<256xf32, #tpu.memory_space<vmem>>, vector<16xf32>,
      %add3A_197 = arith.constant 1.120000e+02 : f32
      %add3A_198 = vector.broadcast %add3A_197 : f32 to vector<16xf32>
      %add3A_199 = arith.addf %convert_element_type3A_2, %add3A_198 : vector<16xf32>
      %mul3A_200 = arith.mulf %get3A_196, %add3A_199 : vector<16xf32>
      %cumsum3A_201 = arith.constant true
      %cumsum3A_202 = vector.broadcast %cumsum3A_201 : i1 to vector<16xi1>
      %cumsum3A_203 = tpu.scan <sum>, %get3A_196 masked %cumsum3A_202 : vector<16xf32>, vector<16xi1> -> vector<16xf32>
      %cumsum3A_204 = arith.constant true
      %cumsum3A_205 = vector.broadcast %cumsum3A_204 : i1 to vector<16xi1>
      %cumsum3A_206 = tpu.scan <sum>, %mul3A_200 masked %cumsum3A_205 : vector<16xf32>, vector<16xi1> -> vector<16xf32>
      %sub3A_207 = arith.subf %cumsum3A_203, %get3A_196 : vector<16xf32>
      %add3A_208 = vector.broadcast %add3A_191 : f32 to vector<16xf32>
      %add3A_209 = arith.addf %sub3A_207, %add3A_208 : vector<16xf32>
      %swap3A_210 = arith.constant 112 : index
      %swap3A_211 = tpu.vector_load %arg5[%swap3A_210] {strides = array<i32>} : memref<256xf32, #tpu.memory_space<vmem>>, vector<16xf32>,
      tpu.vector_store %arg5[%swap3A_210], %add3A_209 {strides = array<i32>} : memref<256xf32, #tpu.memory_space<vmem>>, vector<16xf32>,
      %sub3A_212 = arith.subf %cumsum3A_206, %mul3A_200 : vector<16xf32>
      %add3A_213 = vector.broadcast %add3A_194 : f32 to vector<16xf32>
      %add3A_214 = arith.addf %sub3A_212, %add3A_213 : vector<16xf32>
      %swap3A_215 = arith.constant 112 : index
      %swap3A_216 = tpu.vector_load %arg6[%swap3A_215] {strides = array<i32>} : memref<256xf32, #tpu.memory_space<vmem>>, vector<16xf32>,
      tpu.vector_store %arg6[%swap3A_215], %add3A_214 {strides = array<i32>} : memref<256xf32, #tpu.memory_space<vmem>>, vector<16xf32>,
      %slice3A_217 = vector.extract_strided_slice %cumsum3A_203 {offsets = [15], sizes = [1], strides = [1]} : vector<16xf32> to vector<1xf32>
      %squeeze3A_218 = vector.extract %slice3A_217[0] : f32 from vector<1xf32>
      %add3A_219 = arith.addf %add3A_191, %squeeze3A_218 : f32
      %slice3A_220 = vector.extract_strided_slice %cumsum3A_206 {offsets = [15], sizes = [1], strides = [1]} : vector<16xf32> to vector<1xf32>
      %squeeze3A_221 = vector.extract %slice3A_220[0] : f32 from vector<1xf32>
      %add3A_222 = arith.addf %add3A_194, %squeeze3A_221 : f32
      %get3A_223 = arith.constant 128 : index
      %get3A_224 = tpu.vector_load %arg4[%get3A_223] {strides = array<i32>} : memref<256xf32, #tpu.memory_space<vmem>>, vector<16xf32>,
      %add3A_225 = arith.constant 1.280000e+02 : f32
      %add3A_226 = vector.broadcast %add3A_225 : f32 to vector<16xf32>
      %add3A_227 = arith.addf %convert_element_type3A_2, %add3A_226 : vector<16xf32>
      %mul3A_228 = arith.mulf %get3A_224, %add3A_227 : vector<16xf32>
      %cumsum3A_229 = arith.constant true
      %cumsum3A_230 = vector.broadcast %cumsum3A_229 : i1 to vector<16xi1>
      %cumsum3A_231 = tpu.scan <sum>, %get3A_224 masked %cumsum3A_230 : vector<16xf32>, vector<16xi1> -> vector<16xf32>
      %cumsum3A_232 = arith.constant true
      %cumsum3A_233 = vector.broadcast %cumsum3A_232 : i1 to vector<16xi1>
      %cumsum3A_234 = tpu.scan <sum>, %mul3A_228 masked %cumsum3A_233 : vector<16xf32>, vector<16xi1> -> vector<16xf32>
      %sub3A_235 = arith.subf %cumsum3A_231, %get3A_224 : vector<16xf32>
      %add3A_236 = vector.broadcast %add3A_219 : f32 to vector<16xf32>
      %add3A_237 = arith.addf %sub3A_235, %add3A_236 : vector<16xf32>
      %swap3A_238 = arith.constant 128 : index
      %swap3A_239 = tpu.vector_load %arg5[%swap3A_238] {strides = array<i32>} : memref<256xf32, #tpu.memory_space<vmem>>, vector<16xf32>,
      tpu.vector_store %arg5[%swap3A_238], %add3A_237 {strides = array<i32>} : memref<256xf32, #tpu.memory_space<vmem>>, vector<16xf32>,
      %sub3A_240 = arith.subf %cumsum3A_234, %mul3A_228 : vector<16xf32>
      %add3A_241 = vector.broadcast %add3A_222 : f32 to vector<16xf32>
      %add3A_242 = arith.addf %sub3A_240, %add3A_241 : vector<16xf32>
      %swap3A_243 = arith.constant 128 : index
      %swap3A_244 = tpu.vector_load %arg6[%swap3A_243] {strides = array<i32>} : memref<256xf32, #tpu.memory_space<vmem>>, vector<16xf32>,
      tpu.vector_store %arg6[%swap3A_243], %add3A_242 {strides = array<i32>} : memref<256xf32, #tpu.memory_space<vmem>>, vector<16xf32>,
      %slice3A_245 = vector.extract_strided_slice %cumsum3A_231 {offsets = [15], sizes = [1], strides = [1]} : vector<16xf32> to vector<1xf32>
      %squeeze3A_246 = vector.extract %slice3A_245[0] : f32 from vector<1xf32>
      %add3A_247 = arith.addf %add3A_219, %squeeze3A_246 : f32
      %slice3A_248 = vector.extract_strided_slice %cumsum3A_234 {offsets = [15], sizes = [1], strides = [1]} : vector<16xf32> to vector<1xf32>
      %squeeze3A_249 = vector.extract %slice3A_248[0] : f32 from vector<1xf32>
      %add3A_250 = arith.addf %add3A_222, %squeeze3A_249 : f32
      %get3A_251 = arith.constant 144 : index
      %get3A_252 = tpu.vector_load %arg4[%get3A_251] {strides = array<i32>} : memref<256xf32, #tpu.memory_space<vmem>>, vector<16xf32>,
      %add3A_253 = arith.constant 1.440000e+02 : f32
      %add3A_254 = vector.broadcast %add3A_253 : f32 to vector<16xf32>
      %add3A_255 = arith.addf %convert_element_type3A_2, %add3A_254 : vector<16xf32>
      %mul3A_256 = arith.mulf %get3A_252, %add3A_255 : vector<16xf32>
      %cumsum3A_257 = arith.constant true
      %cumsum3A_258 = vector.broadcast %cumsum3A_257 : i1 to vector<16xi1>
      %cumsum3A_259 = tpu.scan <sum>, %get3A_252 masked %cumsum3A_258 : vector<16xf32>, vector<16xi1> -> vector<16xf32>
      %cumsum3A_260 = arith.constant true
      %cumsum3A_261 = vector.broadcast %cumsum3A_260 : i1 to vector<16xi1>
      %cumsum3A_262 = tpu.scan <sum>, %mul3A_256 masked %cumsum3A_261 : vector<16xf32>, vector<16xi1> -> vector<16xf32>
      %sub3A_263 = arith.subf %cumsum3A_259, %get3A_252 : vector<16xf32>
      %add3A_264 = vector.broadcast %add3A_247 : f32 to vector<16xf32>
      %add3A_265 = arith.addf %sub3A_263, %add3A_264 : vector<16xf32>
      %swap3A_266 = arith.constant 144 : index
      %swap3A_267 = tpu.vector_load %arg5[%swap3A_266] {strides = array<i32>} : memref<256xf32, #tpu.memory_space<vmem>>, vector<16xf32>,
      tpu.vector_store %arg5[%swap3A_266], %add3A_265 {strides = array<i32>} : memref<256xf32, #tpu.memory_space<vmem>>, vector<16xf32>,
      %sub3A_268 = arith.subf %cumsum3A_262, %mul3A_256 : vector<16xf32>
      %add3A_269 = vector.broadcast %add3A_250 : f32 to vector<16xf32>
      %add3A_270 = arith.addf %sub3A_268, %add3A_269 : vector<16xf32>
      %swap3A_271 = arith.constant 144 : index
      %swap3A_272 = tpu.vector_load %arg6[%swap3A_271] {strides = array<i32>} : memref<256xf32, #tpu.memory_space<vmem>>, vector<16xf32>,
      tpu.vector_store %arg6[%swap3A_271], %add3A_270 {strides = array<i32>} : memref<256xf32, #tpu.memory_space<vmem>>, vector<16xf32>,
      %slice3A_273 = vector.extract_strided_slice %cumsum3A_259 {offsets = [15], sizes = [1], strides = [1]} : vector<16xf32> to vector<1xf32>
      %squeeze3A_274 = vector.extract %slice3A_273[0] : f32 from vector<1xf32>
      %add3A_275 = arith.addf %add3A_247, %squeeze3A_274 : f32
      %slice3A_276 = vector.extract_strided_slice %cumsum3A_262 {offsets = [15], sizes = [1], strides = [1]} : vector<16xf32> to vector<1xf32>
      %squeeze3A_277 = vector.extract %slice3A_276[0] : f32 from vector<1xf32>
      %add3A_278 = arith.addf %add3A_250, %squeeze3A_277 : f32
      %get3A_279 = arith.constant 160 : index
      %get3A_280 = tpu.vector_load %arg4[%get3A_279] {strides = array<i32>} : memref<256xf32, #tpu.memory_space<vmem>>, vector<16xf32>,
      %add3A_281 = arith.constant 1.600000e+02 : f32
      %add3A_282 = vector.broadcast %add3A_281 : f32 to vector<16xf32>
      %add3A_283 = arith.addf %convert_element_type3A_2, %add3A_282 : vector<16xf32>
      %mul3A_284 = arith.mulf %get3A_280, %add3A_283 : vector<16xf32>
      %cumsum3A_285 = arith.constant true
      %cumsum3A_286 = vector.broadcast %cumsum3A_285 : i1 to vector<16xi1>
      %cumsum3A_287 = tpu.scan <sum>, %get3A_280 masked %cumsum3A_286 : vector<16xf32>, vector<16xi1> -> vector<16xf32>
      %cumsum3A_288 = arith.constant true
      %cumsum3A_289 = vector.broadcast %cumsum3A_288 : i1 to vector<16xi1>
      %cumsum3A_290 = tpu.scan <sum>, %mul3A_284 masked %cumsum3A_289 : vector<16xf32>, vector<16xi1> -> vector<16xf32>
      %sub3A_291 = arith.subf %cumsum3A_287, %get3A_280 : vector<16xf32>
      %add3A_292 = vector.broadcast %add3A_275 : f32 to vector<16xf32>
      %add3A_293 = arith.addf %sub3A_291, %add3A_292 : vector<16xf32>
      %swap3A_294 = arith.constant 160 : index
      %swap3A_295 = tpu.vector_load %arg5[%swap3A_294] {strides = array<i32>} : memref<256xf32, #tpu.memory_space<vmem>>, vector<16xf32>,
      tpu.vector_store %arg5[%swap3A_294], %add3A_293 {strides = array<i32>} : memref<256xf32, #tpu.memory_space<vmem>>, vector<16xf32>,
      %sub3A_296 = arith.subf %cumsum3A_290, %mul3A_284 : vector<16xf32>
      %add3A_297 = vector.broadcast %add3A_278 : f32 to vector<16xf32>
      %add3A_298 = arith.addf %sub3A_296, %add3A_297 : vector<16xf32>
      %swap3A_299 = arith.constant 160 : index
      %swap3A_300 = tpu.vector_load %arg6[%swap3A_299] {strides = array<i32>} : memref<256xf32, #tpu.memory_space<vmem>>, vector<16xf32>,
      tpu.vector_store %arg6[%swap3A_299], %add3A_298 {strides = array<i32>} : memref<256xf32, #tpu.memory_space<vmem>>, vector<16xf32>,
      %slice3A_301 = vector.extract_strided_slice %cumsum3A_287 {offsets = [15], sizes = [1], strides = [1]} : vector<16xf32> to vector<1xf32>
      %squeeze3A_302 = vector.extract %slice3A_301[0] : f32 from vector<1xf32>
      %add3A_303 = arith.addf %add3A_275, %squeeze3A_302 : f32
      %slice3A_304 = vector.extract_strided_slice %cumsum3A_290 {offsets = [15], sizes = [1], strides = [1]} : vector<16xf32> to vector<1xf32>
      %squeeze3A_305 = vector.extract %slice3A_304[0] : f32 from vector<1xf32>
      %add3A_306 = arith.addf %add3A_278, %squeeze3A_305 : f32
      %get3A_307 = arith.constant 176 : index
      %get3A_308 = tpu.vector_load %arg4[%get3A_307] {strides = array<i32>} : memref<256xf32, #tpu.memory_space<vmem>>, vector<16xf32>,
      %add3A_309 = arith.constant 1.760000e+02 : f32
      %add3A_310 = vector.broadcast %add3A_309 : f32 to vector<16xf32>
      %add3A_311 = arith.addf %convert_element_type3A_2, %add3A_310 : vector<16xf32>
      %mul3A_312 = arith.mulf %get3A_308, %add3A_311 : vector<16xf32>
      %cumsum3A_313 = arith.constant true
      %cumsum3A_314 = vector.broadcast %cumsum3A_313 : i1 to vector<16xi1>
      %cumsum3A_315 = tpu.scan <sum>, %get3A_308 masked %cumsum3A_314 : vector<16xf32>, vector<16xi1> -> vector<16xf32>
      %cumsum3A_316 = arith.constant true
      %cumsum3A_317 = vector.broadcast %cumsum3A_316 : i1 to vector<16xi1>
      %cumsum3A_318 = tpu.scan <sum>, %mul3A_312 masked %cumsum3A_317 : vector<16xf32>, vector<16xi1> -> vector<16xf32>
      %sub3A_319 = arith.subf %cumsum3A_315, %get3A_308 : vector<16xf32>
      %add3A_320 = vector.broadcast %add3A_303 : f32 to vector<16xf32>
      %add3A_321 = arith.addf %sub3A_319, %add3A_320 : vector<16xf32>
      %swap3A_322 = arith.constant 176 : index
      %swap3A_323 = tpu.vector_load %arg5[%swap3A_322] {strides = array<i32>} : memref<256xf32, #tpu.memory_space<vmem>>, vector<16xf32>,
      tpu.vector_store %arg5[%swap3A_322], %add3A_321 {strides = array<i32>} : memref<256xf32, #tpu.memory_space<vmem>>, vector<16xf32>,
      %sub3A_324 = arith.subf %cumsum3A_318, %mul3A_312 : vector<16xf32>
      %add3A_325 = vector.broadcast %add3A_306 : f32 to vector<16xf32>
      %add3A_326 = arith.addf %sub3A_324, %add3A_325 : vector<16xf32>
      %swap3A_327 = arith.constant 176 : index
      %swap3A_328 = tpu.vector_load %arg6[%swap3A_327] {strides = array<i32>} : memref<256xf32, #tpu.memory_space<vmem>>, vector<16xf32>,
      tpu.vector_store %arg6[%swap3A_327], %add3A_326 {strides = array<i32>} : memref<256xf32, #tpu.memory_space<vmem>>, vector<16xf32>,
      %slice3A_329 = vector.extract_strided_slice %cumsum3A_315 {offsets = [15], sizes = [1], strides = [1]} : vector<16xf32> to vector<1xf32>
      %squeeze3A_330 = vector.extract %slice3A_329[0] : f32 from vector<1xf32>
      %add3A_331 = arith.addf %add3A_303, %squeeze3A_330 : f32
      %slice3A_332 = vector.extract_strided_slice %cumsum3A_318 {offsets = [15], sizes = [1], strides = [1]} : vector<16xf32> to vector<1xf32>
      %squeeze3A_333 = vector.extract %slice3A_332[0] : f32 from vector<1xf32>
      %add3A_334 = arith.addf %add3A_306, %squeeze3A_333 : f32
      %get3A_335 = arith.constant 192 : index
      %get3A_336 = tpu.vector_load %arg4[%get3A_335] {strides = array<i32>} : memref<256xf32, #tpu.memory_space<vmem>>, vector<16xf32>,
      %add3A_337 = arith.constant 1.920000e+02 : f32
      %add3A_338 = vector.broadcast %add3A_337 : f32 to vector<16xf32>
      %add3A_339 = arith.addf %convert_element_type3A_2, %add3A_338 : vector<16xf32>
      %mul3A_340 = arith.mulf %get3A_336, %add3A_339 : vector<16xf32>
      %cumsum3A_341 = arith.constant true
      %cumsum3A_342 = vector.broadcast %cumsum3A_341 : i1 to vector<16xi1>
      %cumsum3A_343 = tpu.scan <sum>, %get3A_336 masked %cumsum3A_342 : vector<16xf32>, vector<16xi1> -> vector<16xf32>
      %cumsum3A_344 = arith.constant true
      %cumsum3A_345 = vector.broadcast %cumsum3A_344 : i1 to vector<16xi1>
      %cumsum3A_346 = tpu.scan <sum>, %mul3A_340 masked %cumsum3A_345 : vector<16xf32>, vector<16xi1> -> vector<16xf32>
      %sub3A_347 = arith.subf %cumsum3A_343, %get3A_336 : vector<16xf32>
      %add3A_348 = vector.broadcast %add3A_331 : f32 to vector<16xf32>
      %add3A_349 = arith.addf %sub3A_347, %add3A_348 : vector<16xf32>
      %swap3A_350 = arith.constant 192 : index
      %swap3A_351 = tpu.vector_load %arg5[%swap3A_350] {strides = array<i32>} : memref<256xf32, #tpu.memory_space<vmem>>, vector<16xf32>,
      tpu.vector_store %arg5[%swap3A_350], %add3A_349 {strides = array<i32>} : memref<256xf32, #tpu.memory_space<vmem>>, vector<16xf32>,
      %sub3A_352 = arith.subf %cumsum3A_346, %mul3A_340 : vector<16xf32>
      %add3A_353 = vector.broadcast %add3A_334 : f32 to vector<16xf32>
      %add3A_354 = arith.addf %sub3A_352, %add3A_353 : vector<16xf32>
      %swap3A_355 = arith.constant 192 : index
      %swap3A_356 = tpu.vector_load %arg6[%swap3A_355] {strides = array<i32>} : memref<256xf32, #tpu.memory_space<vmem>>, vector<16xf32>,
      tpu.vector_store %arg6[%swap3A_355], %add3A_354 {strides = array<i32>} : memref<256xf32, #tpu.memory_space<vmem>>, vector<16xf32>,
      %slice3A_357 = vector.extract_strided_slice %cumsum3A_343 {offsets = [15], sizes = [1], strides = [1]} : vector<16xf32> to vector<1xf32>
      %squeeze3A_358 = vector.extract %slice3A_357[0] : f32 from vector<1xf32>
      %add3A_359 = arith.addf %add3A_331, %squeeze3A_358 : f32
      %slice3A_360 = vector.extract_strided_slice %cumsum3A_346 {offsets = [15], sizes = [1], strides = [1]} : vector<16xf32> to vector<1xf32>
      %squeeze3A_361 = vector.extract %slice3A_360[0] : f32 from vector<1xf32>
      %add3A_362 = arith.addf %add3A_334, %squeeze3A_361 : f32
      %get3A_363 = arith.constant 208 : index
      %get3A_364 = tpu.vector_load %arg4[%get3A_363] {strides = array<i32>} : memref<256xf32, #tpu.memory_space<vmem>>, vector<16xf32>,
      %add3A_365 = arith.constant 2.080000e+02 : f32
      %add3A_366 = vector.broadcast %add3A_365 : f32 to vector<16xf32>
      %add3A_367 = arith.addf %convert_element_type3A_2, %add3A_366 : vector<16xf32>
      %mul3A_368 = arith.mulf %get3A_364, %add3A_367 : vector<16xf32>
      %cumsum3A_369 = arith.constant true
      %cumsum3A_370 = vector.broadcast %cumsum3A_369 : i1 to vector<16xi1>
      %cumsum3A_371 = tpu.scan <sum>, %get3A_364 masked %cumsum3A_370 : vector<16xf32>, vector<16xi1> -> vector<16xf32>
      %cumsum3A_372 = arith.constant true
      %cumsum3A_373 = vector.broadcast %cumsum3A_372 : i1 to vector<16xi1>
      %cumsum3A_374 = tpu.scan <sum>, %mul3A_368 masked %cumsum3A_373 : vector<16xf32>, vector<16xi1> -> vector<16xf32>
      %sub3A_375 = arith.subf %cumsum3A_371, %get3A_364 : vector<16xf32>
      %add3A_376 = vector.broadcast %add3A_359 : f32 to vector<16xf32>
      %add3A_377 = arith.addf %sub3A_375, %add3A_376 : vector<16xf32>
      %swap3A_378 = arith.constant 208 : index
      %swap3A_379 = tpu.vector_load %arg5[%swap3A_378] {strides = array<i32>} : memref<256xf32, #tpu.memory_space<vmem>>, vector<16xf32>,
      tpu.vector_store %arg5[%swap3A_378], %add3A_377 {strides = array<i32>} : memref<256xf32, #tpu.memory_space<vmem>>, vector<16xf32>,
      %sub3A_380 = arith.subf %cumsum3A_374, %mul3A_368 : vector<16xf32>
      %add3A_381 = vector.broadcast %add3A_362 : f32 to vector<16xf32>
      %add3A_382 = arith.addf %sub3A_380, %add3A_381 : vector<16xf32>
      %swap3A_383 = arith.constant 208 : index
      %swap3A_384 = tpu.vector_load %arg6[%swap3A_383] {strides = array<i32>} : memref<256xf32, #tpu.memory_space<vmem>>, vector<16xf32>,
      tpu.vector_store %arg6[%swap3A_383], %add3A_382 {strides = array<i32>} : memref<256xf32, #tpu.memory_space<vmem>>, vector<16xf32>,
      %slice3A_385 = vector.extract_strided_slice %cumsum3A_371 {offsets = [15], sizes = [1], strides = [1]} : vector<16xf32> to vector<1xf32>
      %squeeze3A_386 = vector.extract %slice3A_385[0] : f32 from vector<1xf32>
      %add3A_387 = arith.addf %add3A_359, %squeeze3A_386 : f32
      %slice3A_388 = vector.extract_strided_slice %cumsum3A_374 {offsets = [15], sizes = [1], strides = [1]} : vector<16xf32> to vector<1xf32>
      %squeeze3A_389 = vector.extract %slice3A_388[0] : f32 from vector<1xf32>
      %add3A_390 = arith.addf %add3A_362, %squeeze3A_389 : f32
      %get3A_391 = arith.constant 224 : index
      %get3A_392 = tpu.vector_load %arg4[%get3A_391] {strides = array<i32>} : memref<256xf32, #tpu.memory_space<vmem>>, vector<16xf32>,
      %add3A_393 = arith.constant 2.240000e+02 : f32
      %add3A_394 = vector.broadcast %add3A_393 : f32 to vector<16xf32>
      %add3A_395 = arith.addf %convert_element_type3A_2, %add3A_394 : vector<16xf32>
      %mul3A_396 = arith.mulf %get3A_392, %add3A_395 : vector<16xf32>
      %cumsum3A_397 = arith.constant true
      %cumsum3A_398 = vector.broadcast %cumsum3A_397 : i1 to vector<16xi1>
      %cumsum3A_399 = tpu.scan <sum>, %get3A_392 masked %cumsum3A_398 : vector<16xf32>, vector<16xi1> -> vector<16xf32>
      %cumsum3A_400 = arith.constant true
      %cumsum3A_401 = vector.broadcast %cumsum3A_400 : i1 to vector<16xi1>
      %cumsum3A_402 = tpu.scan <sum>, %mul3A_396 masked %cumsum3A_401 : vector<16xf32>, vector<16xi1> -> vector<16xf32>
      %sub3A_403 = arith.subf %cumsum3A_399, %get3A_392 : vector<16xf32>
      %add3A_404 = vector.broadcast %add3A_387 : f32 to vector<16xf32>
      %add3A_405 = arith.addf %sub3A_403, %add3A_404 : vector<16xf32>
      %swap3A_406 = arith.constant 224 : index
      %swap3A_407 = tpu.vector_load %arg5[%swap3A_406] {strides = array<i32>} : memref<256xf32, #tpu.memory_space<vmem>>, vector<16xf32>,
      tpu.vector_store %arg5[%swap3A_406], %add3A_405 {strides = array<i32>} : memref<256xf32, #tpu.memory_space<vmem>>, vector<16xf32>,
      %sub3A_408 = arith.subf %cumsum3A_402, %mul3A_396 : vector<16xf32>
      %add3A_409 = vector.broadcast %add3A_390 : f32 to vector<16xf32>
      %add3A_410 = arith.addf %sub3A_408, %add3A_409 : vector<16xf32>
      %swap3A_411 = arith.constant 224 : index
      %swap3A_412 = tpu.vector_load %arg6[%swap3A_411] {strides = array<i32>} : memref<256xf32, #tpu.memory_space<vmem>>, vector<16xf32>,
      tpu.vector_store %arg6[%swap3A_411], %add3A_410 {strides = array<i32>} : memref<256xf32, #tpu.memory_space<vmem>>, vector<16xf32>,
      %slice3A_413 = vector.extract_strided_slice %cumsum3A_399 {offsets = [15], sizes = [1], strides = [1]} : vector<16xf32> to vector<1xf32>
      %squeeze3A_414 = vector.extract %slice3A_413[0] : f32 from vector<1xf32>
      %add3A_415 = arith.addf %add3A_387, %squeeze3A_414 : f32
      %slice3A_416 = vector.extract_strided_slice %cumsum3A_402 {offsets = [15], sizes = [1], strides = [1]} : vector<16xf32> to vector<1xf32>
      %squeeze3A_417 = vector.extract %slice3A_416[0] : f32 from vector<1xf32>
      %add3A_418 = arith.addf %add3A_390, %squeeze3A_417 : f32
      %get3A_419 = arith.constant 240 : index
      %get3A_420 = tpu.vector_load %arg4[%get3A_419] {strides = array<i32>} : memref<256xf32, #tpu.memory_space<vmem>>, vector<16xf32>,
      %add3A_421 = arith.constant 2.400000e+02 : f32
      %add3A_422 = vector.broadcast %add3A_421 : f32 to vector<16xf32>
      %add3A_423 = arith.addf %convert_element_type3A_2, %add3A_422 : vector<16xf32>
      %mul3A_424 = arith.mulf %get3A_420, %add3A_423 : vector<16xf32>
      %cumsum3A_425 = arith.constant true
      %cumsum3A_426 = vector.broadcast %cumsum3A_425 : i1 to vector<16xi1>
      %cumsum3A_427 = tpu.scan <sum>, %get3A_420 masked %cumsum3A_426 : vector<16xf32>, vector<16xi1> -> vector<16xf32>
      %cumsum3A_428 = arith.constant true
      %cumsum3A_429 = vector.broadcast %cumsum3A_428 : i1 to vector<16xi1>
      %cumsum3A_430 = tpu.scan <sum>, %mul3A_424 masked %cumsum3A_429 : vector<16xf32>, vector<16xi1> -> vector<16xf32>
      %sub3A_431 = arith.subf %cumsum3A_427, %get3A_420 : vector<16xf32>
      %add3A_432 = vector.broadcast %add3A_415 : f32 to vector<16xf32>
      %add3A_433 = arith.addf %sub3A_431, %add3A_432 : vector<16xf32>
      %swap3A_434 = arith.constant 240 : index
      %swap3A_435 = tpu.vector_load %arg5[%swap3A_434] {strides = array<i32>} : memref<256xf32, #tpu.memory_space<vmem>>, vector<16xf32>,
      tpu.vector_store %arg5[%swap3A_434], %add3A_433 {strides = array<i32>} : memref<256xf32, #tpu.memory_space<vmem>>, vector<16xf32>,
      %sub3A_436 = arith.subf %cumsum3A_430, %mul3A_424 : vector<16xf32>
      %add3A_437 = vector.broadcast %add3A_418 : f32 to vector<16xf32>
      %add3A_438 = arith.addf %sub3A_436, %add3A_437 : vector<16xf32>
      %swap3A_439 = arith.constant 240 : index
      %swap3A_440 = tpu.vector_load %arg6[%swap3A_439] {strides = array<i32>} : memref<256xf32, #tpu.memory_space<vmem>>, vector<16xf32>,
      tpu.vector_store %arg6[%swap3A_439], %add3A_438 {strides = array<i32>} : memref<256xf32, #tpu.memory_space<vmem>>, vector<16xf32>,
      %slice3A_441 = vector.extract_strided_slice %cumsum3A_427 {offsets = [15], sizes = [1], strides = [1]} : vector<16xf32> to vector<1xf32>
      %squeeze3A_442 = vector.extract %slice3A_441[0] : f32 from vector<1xf32>
      %add3A_443 = arith.addf %add3A_415, %squeeze3A_442 : f32
      %slice3A_444 = vector.extract_strided_slice %cumsum3A_430 {offsets = [15], sizes = [1], strides = [1]} : vector<16xf32> to vector<1xf32>
      %squeeze3A_445 = vector.extract %slice3A_444[0] : f32 from vector<1xf32>
      %add3A_446 = arith.addf %add3A_418, %squeeze3A_445 : f32
      %get3A_447 = arith.constant 0 : index
      %get3A_448 = tpu.vector_load %arg6[%get3A_447] {strides = array<i32>} : memref<256xf32, #tpu.memory_space<vmem>>, vector<16xf32>,
      %mul3A_449 = vector.broadcast %add3A_443 : f32 to vector<16xf32>
      %mul3A_450 = arith.mulf %mul3A_449, %get3A_448 : vector<16xf32>
      %get3A_451 = arith.constant 0 : index
      %get3A_452 = tpu.vector_load %arg5[%get3A_451] {strides = array<i32>} : memref<256xf32, #tpu.memory_space<vmem>>, vector<16xf32>,
      %mul3A_453 = vector.broadcast %add3A_446 : f32 to vector<16xf32>
      %mul3A_454 = arith.mulf %mul3A_453, %get3A_452 : vector<16xf32>
      %sub3A_455 = arith.subf %mul3A_450, %mul3A_454 : vector<16xf32>
      %swap3A_456 = arith.constant 0 : index
      %swap3A_457 = tpu.vector_load %arg7[%swap3A_456] {strides = array<i32>} : memref<256xf32, #tpu.memory_space<vmem>>, vector<16xf32>,
      tpu.vector_store %arg7[%swap3A_456], %sub3A_455 {strides = array<i32>} : memref<256xf32, #tpu.memory_space<vmem>>, vector<16xf32>,
      %get3A_458 = arith.constant 16 : index
      %get3A_459 = tpu.vector_load %arg6[%get3A_458] {strides = array<i32>} : memref<256xf32, #tpu.memory_space<vmem>>, vector<16xf32>,
      %mul3A_460 = vector.broadcast %add3A_443 : f32 to vector<16xf32>
      %mul3A_461 = arith.mulf %mul3A_460, %get3A_459 : vector<16xf32>
      %get3A_462 = arith.constant 16 : index
      %get3A_463 = tpu.vector_load %arg5[%get3A_462] {strides = array<i32>} : memref<256xf32, #tpu.memory_space<vmem>>, vector<16xf32>,
      %mul3A_464 = vector.broadcast %add3A_446 : f32 to vector<16xf32>
      %mul3A_465 = arith.mulf %mul3A_464, %get3A_463 : vector<16xf32>
      %sub3A_466 = arith.subf %mul3A_461, %mul3A_465 : vector<16xf32>
      %swap3A_467 = arith.constant 16 : index
      %swap3A_468 = tpu.vector_load %arg7[%swap3A_467] {strides = array<i32>} : memref<256xf32, #tpu.memory_space<vmem>>, vector<16xf32>,
      tpu.vector_store %arg7[%swap3A_467], %sub3A_466 {strides = array<i32>} : memref<256xf32, #tpu.memory_space<vmem>>, vector<16xf32>,
      %get3A_469 = arith.constant 32 : index
      %get3A_470 = tpu.vector_load %arg6[%get3A_469] {strides = array<i32>} : memref<256xf32, #tpu.memory_space<vmem>>, vector<16xf32>,
      %mul3A_471 = vector.broadcast %add3A_443 : f32 to vector<16xf32>
      %mul3A_472 = arith.mulf %mul3A_471, %get3A_470 : vector<16xf32>
      %get3A_473 = arith.constant 32 : index
      %get3A_474 = tpu.vector_load %arg5[%get3A_473] {strides = array<i32>} : memref<256xf32, #tpu.memory_space<vmem>>, vector<16xf32>,
      %mul3A_475 = vector.broadcast %add3A_446 : f32 to vector<16xf32>
      %mul3A_476 = arith.mulf %mul3A_475, %get3A_474 : vector<16xf32>
      %sub3A_477 = arith.subf %mul3A_472, %mul3A_476 : vector<16xf32>
      %swap3A_478 = arith.constant 32 : index
      %swap3A_479 = tpu.vector_load %arg7[%swap3A_478] {strides = array<i32>} : memref<256xf32, #tpu.memory_space<vmem>>, vector<16xf32>,
      tpu.vector_store %arg7[%swap3A_478], %sub3A_477 {strides = array<i32>} : memref<256xf32, #tpu.memory_space<vmem>>, vector<16xf32>,
      %get3A_480 = arith.constant 48 : index
      %get3A_481 = tpu.vector_load %arg6[%get3A_480] {strides = array<i32>} : memref<256xf32, #tpu.memory_space<vmem>>, vector<16xf32>,
      %mul3A_482 = vector.broadcast %add3A_443 : f32 to vector<16xf32>
      %mul3A_483 = arith.mulf %mul3A_482, %get3A_481 : vector<16xf32>
      %get3A_484 = arith.constant 48 : index
      %get3A_485 = tpu.vector_load %arg5[%get3A_484] {strides = array<i32>} : memref<256xf32, #tpu.memory_space<vmem>>, vector<16xf32>,
      %mul3A_486 = vector.broadcast %add3A_446 : f32 to vector<16xf32>
      %mul3A_487 = arith.mulf %mul3A_486, %get3A_485 : vector<16xf32>
      %sub3A_488 = arith.subf %mul3A_483, %mul3A_487 : vector<16xf32>
      %swap3A_489 = arith.constant 48 : index
      %swap3A_490 = tpu.vector_load %arg7[%swap3A_489] {strides = array<i32>} : memref<256xf32, #tpu.memory_space<vmem>>, vector<16xf32>,
      tpu.vector_store %arg7[%swap3A_489], %sub3A_488 {strides = array<i32>} : memref<256xf32, #tpu.memory_space<vmem>>, vector<16xf32>,
      %get3A_491 = arith.constant 64 : index
      %get3A_492 = tpu.vector_load %arg6[%get3A_491] {strides = array<i32>} : memref<256xf32, #tpu.memory_space<vmem>>, vector<16xf32>,
      %mul3A_493 = vector.broadcast %add3A_443 : f32 to vector<16xf32>
      %mul3A_494 = arith.mulf %mul3A_493, %get3A_492 : vector<16xf32>
      %get3A_495 = arith.constant 64 : index
      %get3A_496 = tpu.vector_load %arg5[%get3A_495] {strides = array<i32>} : memref<256xf32, #tpu.memory_space<vmem>>, vector<16xf32>,
      %mul3A_497 = vector.broadcast %add3A_446 : f32 to vector<16xf32>
      %mul3A_498 = arith.mulf %mul3A_497, %get3A_496 : vector<16xf32>
      %sub3A_499 = arith.subf %mul3A_494, %mul3A_498 : vector<16xf32>
      %swap3A_500 = arith.constant 64 : index
      %swap3A_501 = tpu.vector_load %arg7[%swap3A_500] {strides = array<i32>} : memref<256xf32, #tpu.memory_space<vmem>>, vector<16xf32>,
      tpu.vector_store %arg7[%swap3A_500], %sub3A_499 {strides = array<i32>} : memref<256xf32, #tpu.memory_space<vmem>>, vector<16xf32>,
      %get3A_502 = arith.constant 80 : index
      %get3A_503 = tpu.vector_load %arg6[%get3A_502] {strides = array<i32>} : memref<256xf32, #tpu.memory_space<vmem>>, vector<16xf32>,
      %mul3A_504 = vector.broadcast %add3A_443 : f32 to vector<16xf32>
      %mul3A_505 = arith.mulf %mul3A_504, %get3A_503 : vector<16xf32>
      %get3A_506 = arith.constant 80 : index
      %get3A_507 = tpu.vector_load %arg5[%get3A_506] {strides = array<i32>} : memref<256xf32, #tpu.memory_space<vmem>>, vector<16xf32>,
      %mul3A_508 = vector.broadcast %add3A_446 : f32 to vector<16xf32>
      %mul3A_509 = arith.mulf %mul3A_508, %get3A_507 : vector<16xf32>
      %sub3A_510 = arith.subf %mul3A_505, %mul3A_509 : vector<16xf32>
      %swap3A_511 = arith.constant 80 : index
      %swap3A_512 = tpu.vector_load %arg7[%swap3A_511] {strides = array<i32>} : memref<256xf32, #tpu.memory_space<vmem>>, vector<16xf32>,
      tpu.vector_store %arg7[%swap3A_511], %sub3A_510 {strides = array<i32>} : memref<256xf32, #tpu.memory_space<vmem>>, vector<16xf32>,
      %get3A_513 = arith.constant 96 : index
      %get3A_514 = tpu.vector_load %arg6[%get3A_513] {strides = array<i32>} : memref<256xf32, #tpu.memory_space<vmem>>, vector<16xf32>,
      %mul3A_515 = vector.broadcast %add3A_443 : f32 to vector<16xf32>
      %mul3A_516 = arith.mulf %mul3A_515, %get3A_514 : vector<16xf32>
      %get3A_517 = arith.constant 96 : index
      %get3A_518 = tpu.vector_load %arg5[%get3A_517] {strides = array<i32>} : memref<256xf32, #tpu.memory_space<vmem>>, vector<16xf32>,
      %mul3A_519 = vector.broadcast %add3A_446 : f32 to vector<16xf32>
      %mul3A_520 = arith.mulf %mul3A_519, %get3A_518 : vector<16xf32>
      %sub3A_521 = arith.subf %mul3A_516, %mul3A_520 : vector<16xf32>
      %swap3A_522 = arith.constant 96 : index
      %swap3A_523 = tpu.vector_load %arg7[%swap3A_522] {strides = array<i32>} : memref<256xf32, #tpu.memory_space<vmem>>, vector<16xf32>,
      tpu.vector_store %arg7[%swap3A_522], %sub3A_521 {strides = array<i32>} : memref<256xf32, #tpu.memory_space<vmem>>, vector<16xf32>,
      %get3A_524 = arith.constant 112 : index
      %get3A_525 = tpu.vector_load %arg6[%get3A_524] {strides = array<i32>} : memref<256xf32, #tpu.memory_space<vmem>>, vector<16xf32>,
      %mul3A_526 = vector.broadcast %add3A_443 : f32 to vector<16xf32>
      %mul3A_527 = arith.mulf %mul3A_526, %get3A_525 : vector<16xf32>
      %get3A_528 = arith.constant 112 : index
      %get3A_529 = tpu.vector_load %arg5[%get3A_528] {strides = array<i32>} : memref<256xf32, #tpu.memory_space<vmem>>, vector<16xf32>,
      %mul3A_530 = vector.broadcast %add3A_446 : f32 to vector<16xf32>
      %mul3A_531 = arith.mulf %mul3A_530, %get3A_529 : vector<16xf32>
      %sub3A_532 = arith.subf %mul3A_527, %mul3A_531 : vector<16xf32>
      %swap3A_533 = arith.constant 112 : index
      %swap3A_534 = tpu.vector_load %arg7[%swap3A_533] {strides = array<i32>} : memref<256xf32, #tpu.memory_space<vmem>>, vector<16xf32>,
      tpu.vector_store %arg7[%swap3A_533], %sub3A_532 {strides = array<i32>} : memref<256xf32, #tpu.memory_space<vmem>>, vector<16xf32>,
      %get3A_535 = arith.constant 128 : index
      %get3A_536 = tpu.vector_load %arg6[%get3A_535] {strides = array<i32>} : memref<256xf32, #tpu.memory_space<vmem>>, vector<16xf32>,
      %mul3A_537 = vector.broadcast %add3A_443 : f32 to vector<16xf32>
      %mul3A_538 = arith.mulf %mul3A_537, %get3A_536 : vector<16xf32>
      %get3A_539 = arith.constant 128 : index
      %get3A_540 = tpu.vector_load %arg5[%get3A_539] {strides = array<i32>} : memref<256xf32, #tpu.memory_space<vmem>>, vector<16xf32>,
      %mul3A_541 = vector.broadcast %add3A_446 : f32 to vector<16xf32>
      %mul3A_542 = arith.mulf %mul3A_541, %get3A_540 : vector<16xf32>
      %sub3A_543 = arith.subf %mul3A_538, %mul3A_542 : vector<16xf32>
      %swap3A_544 = arith.constant 128 : index
      %swap3A_545 = tpu.vector_load %arg7[%swap3A_544] {strides = array<i32>} : memref<256xf32, #tpu.memory_space<vmem>>, vector<16xf32>,
      tpu.vector_store %arg7[%swap3A_544], %sub3A_543 {strides = array<i32>} : memref<256xf32, #tpu.memory_space<vmem>>, vector<16xf32>,
      %get3A_546 = arith.constant 144 : index
      %get3A_547 = tpu.vector_load %arg6[%get3A_546] {strides = array<i32>} : memref<256xf32, #tpu.memory_space<vmem>>, vector<16xf32>,
      %mul3A_548 = vector.broadcast %add3A_443 : f32 to vector<16xf32>
      %mul3A_549 = arith.mulf %mul3A_548, %get3A_547 : vector<16xf32>
      %get3A_550 = arith.constant 144 : index
      %get3A_551 = tpu.vector_load %arg5[%get3A_550] {strides = array<i32>} : memref<256xf32, #tpu.memory_space<vmem>>, vector<16xf32>,
      %mul3A_552 = vector.broadcast %add3A_446 : f32 to vector<16xf32>
      %mul3A_553 = arith.mulf %mul3A_552, %get3A_551 : vector<16xf32>
      %sub3A_554 = arith.subf %mul3A_549, %mul3A_553 : vector<16xf32>
      %swap3A_555 = arith.constant 144 : index
      %swap3A_556 = tpu.vector_load %arg7[%swap3A_555] {strides = array<i32>} : memref<256xf32, #tpu.memory_space<vmem>>, vector<16xf32>,
      tpu.vector_store %arg7[%swap3A_555], %sub3A_554 {strides = array<i32>} : memref<256xf32, #tpu.memory_space<vmem>>, vector<16xf32>,
      %get3A_557 = arith.constant 160 : index
      %get3A_558 = tpu.vector_load %arg6[%get3A_557] {strides = array<i32>} : memref<256xf32, #tpu.memory_space<vmem>>, vector<16xf32>,
      %mul3A_559 = vector.broadcast %add3A_443 : f32 to vector<16xf32>
      %mul3A_560 = arith.mulf %mul3A_559, %get3A_558 : vector<16xf32>
      %get3A_561 = arith.constant 160 : index
      %get3A_562 = tpu.vector_load %arg5[%get3A_561] {strides = array<i32>} : memref<256xf32, #tpu.memory_space<vmem>>, vector<16xf32>,
      %mul3A_563 = vector.broadcast %add3A_446 : f32 to vector<16xf32>
      %mul3A_564 = arith.mulf %mul3A_563, %get3A_562 : vector<16xf32>
      %sub3A_565 = arith.subf %mul3A_560, %mul3A_564 : vector<16xf32>
      %swap3A_566 = arith.constant 160 : index
      %swap3A_567 = tpu.vector_load %arg7[%swap3A_566] {strides = array<i32>} : memref<256xf32, #tpu.memory_space<vmem>>, vector<16xf32>,
      tpu.vector_store %arg7[%swap3A_566], %sub3A_565 {strides = array<i32>} : memref<256xf32, #tpu.memory_space<vmem>>, vector<16xf32>,
      %get3A_568 = arith.constant 176 : index
      %get3A_569 = tpu.vector_load %arg6[%get3A_568] {strides = array<i32>} : memref<256xf32, #tpu.memory_space<vmem>>, vector<16xf32>,
      %mul3A_570 = vector.broadcast %add3A_443 : f32 to vector<16xf32>
      %mul3A_571 = arith.mulf %mul3A_570, %get3A_569 : vector<16xf32>
      %get3A_572 = arith.constant 176 : index
      %get3A_573 = tpu.vector_load %arg5[%get3A_572] {strides = array<i32>} : memref<256xf32, #tpu.memory_space<vmem>>, vector<16xf32>,
      %mul3A_574 = vector.broadcast %add3A_446 : f32 to vector<16xf32>
      %mul3A_575 = arith.mulf %mul3A_574, %get3A_573 : vector<16xf32>
      %sub3A_576 = arith.subf %mul3A_571, %mul3A_575 : vector<16xf32>
      %swap3A_577 = arith.constant 176 : index
      %swap3A_578 = tpu.vector_load %arg7[%swap3A_577] {strides = array<i32>} : memref<256xf32, #tpu.memory_space<vmem>>, vector<16xf32>,
      tpu.vector_store %arg7[%swap3A_577], %sub3A_576 {strides = array<i32>} : memref<256xf32, #tpu.memory_space<vmem>>, vector<16xf32>,
      %get3A_579 = arith.constant 192 : index
      %get3A_580 = tpu.vector_load %arg6[%get3A_579] {strides = array<i32>} : memref<256xf32, #tpu.memory_space<vmem>>, vector<16xf32>,
      %mul3A_581 = vector.broadcast %add3A_443 : f32 to vector<16xf32>
      %mul3A_582 = arith.mulf %mul3A_581, %get3A_580 : vector<16xf32>
      %get3A_583 = arith.constant 192 : index
      %get3A_584 = tpu.vector_load %arg5[%get3A_583] {strides = array<i32>} : memref<256xf32, #tpu.memory_space<vmem>>, vector<16xf32>,
      %mul3A_585 = vector.broadcast %add3A_446 : f32 to vector<16xf32>
      %mul3A_586 = arith.mulf %mul3A_585, %get3A_584 : vector<16xf32>
      %sub3A_587 = arith.subf %mul3A_582, %mul3A_586 : vector<16xf32>
      %swap3A_588 = arith.constant 192 : index
      %swap3A_589 = tpu.vector_load %arg7[%swap3A_588] {strides = array<i32>} : memref<256xf32, #tpu.memory_space<vmem>>, vector<16xf32>,
      tpu.vector_store %arg7[%swap3A_588], %sub3A_587 {strides = array<i32>} : memref<256xf32, #tpu.memory_space<vmem>>, vector<16xf32>,
      %get3A_590 = arith.constant 208 : index
      %get3A_591 = tpu.vector_load %arg6[%get3A_590] {strides = array<i32>} : memref<256xf32, #tpu.memory_space<vmem>>, vector<16xf32>,
      %mul3A_592 = vector.broadcast %add3A_443 : f32 to vector<16xf32>
      %mul3A_593 = arith.mulf %mul3A_592, %get3A_591 : vector<16xf32>
      %get3A_594 = arith.constant 208 : index
      %get3A_595 = tpu.vector_load %arg5[%get3A_594] {strides = array<i32>} : memref<256xf32, #tpu.memory_space<vmem>>, vector<16xf32>,
      %mul3A_596 = vector.broadcast %add3A_446 : f32 to vector<16xf32>
      %mul3A_597 = arith.mulf %mul3A_596, %get3A_595 : vector<16xf32>
      %sub3A_598 = arith.subf %mul3A_593, %mul3A_597 : vector<16xf32>
      %swap3A_599 = arith.constant 208 : index
      %swap3A_600 = tpu.vector_load %arg7[%swap3A_599] {strides = array<i32>} : memref<256xf32, #tpu.memory_space<vmem>>, vector<16xf32>,
      tpu.vector_store %arg7[%swap3A_599], %sub3A_598 {strides = array<i32>} : memref<256xf32, #tpu.memory_space<vmem>>, vector<16xf32>,
      %get3A_601 = arith.constant 224 : index
      %get3A_602 = tpu.vector_load %arg6[%get3A_601] {strides = array<i32>} : memref<256xf32, #tpu.memory_space<vmem>>, vector<16xf32>,
      %mul3A_603 = vector.broadcast %add3A_443 : f32 to vector<16xf32>
      %mul3A_604 = arith.mulf %mul3A_603, %get3A_602 : vector<16xf32>
      %get3A_605 = arith.constant 224 : index
      %get3A_606 = tpu.vector_load %arg5[%get3A_605] {strides = array<i32>} : memref<256xf32, #tpu.memory_space<vmem>>, vector<16xf32>,
      %mul3A_607 = vector.broadcast %add3A_446 : f32 to vector<16xf32>
      %mul3A_608 = arith.mulf %mul3A_607, %get3A_606 : vector<16xf32>
      %sub3A_609 = arith.subf %mul3A_604, %mul3A_608 : vector<16xf32>
      %swap3A_610 = arith.constant 224 : index
      %swap3A_611 = tpu.vector_load %arg7[%swap3A_610] {strides = array<i32>} : memref<256xf32, #tpu.memory_space<vmem>>, vector<16xf32>,
      tpu.vector_store %arg7[%swap3A_610], %sub3A_609 {strides = array<i32>} : memref<256xf32, #tpu.memory_space<vmem>>, vector<16xf32>,
      %get3A_612 = arith.constant 240 : index
      %get3A_613 = tpu.vector_load %arg6[%get3A_612] {strides = array<i32>} : memref<256xf32, #tpu.memory_space<vmem>>, vector<16xf32>,
      %mul3A_614 = vector.broadcast %add3A_443 : f32 to vector<16xf32>
      %mul3A_615 = arith.mulf %mul3A_614, %get3A_613 : vector<16xf32>
      %get3A_616 = arith.constant 240 : index
      %get3A_617 = tpu.vector_load %arg5[%get3A_616] {strides = array<i32>} : memref<256xf32, #tpu.memory_space<vmem>>, vector<16xf32>,
      %mul3A_618 = vector.broadcast %add3A_446 : f32 to vector<16xf32>
      %mul3A_619 = arith.mulf %mul3A_618, %get3A_617 : vector<16xf32>
      %sub3A_620 = arith.subf %mul3A_615, %mul3A_619 : vector<16xf32>
      %swap3A_621 = arith.constant 240 : index
      %swap3A_622 = tpu.vector_load %arg7[%swap3A_621] {strides = array<i32>} : memref<256xf32, #tpu.memory_space<vmem>>, vector<16xf32>,
      tpu.vector_store %arg7[%swap3A_621], %sub3A_620 {strides = array<i32>} : memref<256xf32, #tpu.memory_space<vmem>>, vector<16xf32>,
      %broadcast_in_dim3A = arith.constant -2.000000e+00 : f32
      %broadcast_in_dim3A_623 = vector.broadcast %broadcast_in_dim3A : f32 to vector<16xf32>
      %broadcast_in_dim3A_624 = arith.constant 1073741824 : i32
      %broadcast_in_dim3A_625 = vector.broadcast %broadcast_in_dim3A_624 : i32 to vector<16xi32>
      %scan3A = arith.constant 0 : i32
      %scan3A_626 = arith.constant 16 : i32
      %scan3A_627 = arith.addi %scan3A, %scan3A_626 : i32
      %scan3A_628 = arith.constant 1 : i32
      %scan3A_629:2 = scf.for %scan3A_644 = %scan3A to %scan3A_627 step %scan3A_628 iter_args(%scan3A_645 = %broadcast_in_dim3A_623, %scan3A_646 = %broadcast_in_dim3A_625) -> (vector<16xf32>, vector<16xi32>)  : i32 {
        %add3A_647 = arith.constant 1 : i32
        %add3A_648 = arith.addi %add3A_647, %arg1 : i32
        %mul3A_649 = arith.constant 16 : i32
        %mul3A_650 = arith.muli %mul3A_649, %scan3A_644 : i32
        %add3A_651 = arith.addi %add3A_648, %mul3A_650 : i32
        %min3A = arith.constant 255 : i32
        %min3A_652 = arith.minsi %add3A_651, %min3A : i32
        %and3A = arith.constant -16 : i32
        %and3A_653 = arith.andi %min3A_652, %and3A : i32
        %iota3A_654 = tpu.iota {dimensions = array<i32: 0>} : vector<16xi32>
        %and3A_655 = arith.constant 15 : i32
        %and3A_656 = arith.andi %min3A_652, %and3A_655 : i32
        %eq3A_657 = vector.broadcast %and3A_656 : i32 to vector<16xi32>
        %eq3A_658 = arith.cmpi eq, %iota3A_654, %eq3A_657 : vector<16xi32>
        %get3A_659 = arith.index_cast %and3A_653 : i32 to index
        %get3A_660 = tpu.vector_load %arg5[%get3A_659] {strides = array<i32>} : memref<256xf32, #tpu.memory_space<vmem>>, vector<16xf32>,
        %jit3A = arith.constant 0.000000e+00 : f32
        %broadcast_in_dim3A_661 = vector.broadcast %jit3A : f32 to vector<16xf32>
        %select_n3A = arith.select %eq3A_658, %get3A_660, %broadcast_in_dim3A_661 : vector<16xi1>, vector<16xf32>
        %reduce_sum3A = arith.constant true
        %reduce_sum3A_662 = vector.broadcast %reduce_sum3A : i1 to vector<16xi1>
        %reduce_sum3A_663 = tpu.scan <sum>, %select_n3A masked %reduce_sum3A_662 : vector<16xf32>, vector<16xi1> -> vector<16xf32>
        %reduce_sum3A_664 = vector.extract %reduce_sum3A_663[15] : f32 from vector<16xf32>
        %get3A_665 = arith.index_cast %and3A_653 : i32 to index
        %get3A_666 = tpu.vector_load %arg6[%get3A_665] {strides = array<i32>} : memref<256xf32, #tpu.memory_space<vmem>>, vector<16xf32>,
        %jit3A_667 = arith.constant 0.000000e+00 : f32
        %broadcast_in_dim3A_668 = vector.broadcast %jit3A_667 : f32 to vector<16xf32>
        %select_n3A_669 = arith.select %eq3A_658, %get3A_666, %broadcast_in_dim3A_668 : vector<16xi1>, vector<16xf32>
        %reduce_sum3A_670 = arith.constant true
        %reduce_sum3A_671 = vector.broadcast %reduce_sum3A_670 : i1 to vector<16xi1>
        %reduce_sum3A_672 = tpu.scan <sum>, %select_n3A_669 masked %reduce_sum3A_671 : vector<16xf32>, vector<16xi1> -> vector<16xf32>
        %reduce_sum3A_673 = vector.extract %reduce_sum3A_672[15] : f32 from vector<16xf32>
        %add3A_674 = arith.constant 1 : i32
        %add3A_675 = arith.addi %add3A_651, %add3A_674 : i32
        %shift_right_logical3A = arith.constant 4 : i32
        %shift_right_logical3A_676 = arith.shrui %add3A_675, %shift_right_logical3A : i32
        %mul3A_677 = arith.mulf %reduce_sum3A_673, %add3A_443 : f32
        %mul3A_678 = arith.mulf %reduce_sum3A_664, %add3A_446 : f32
        %sub3A_679 = arith.subf %mul3A_677, %mul3A_678 : f32
        %and3A_680 = arith.constant -2 : i32
        %and3A_681 = arith.andi %shift_right_logical3A_676, %and3A_680 : i32
        %broadcast_in_dim3A_682 = arith.constant -2.000000e+00 : f32
        %broadcast_in_dim3A_683 = vector.broadcast %broadcast_in_dim3A_682 : f32 to vector<16xf32>
        %broadcast_in_dim3A_684 = arith.constant 1073741824 : i32
        %broadcast_in_dim3A_685 = vector.broadcast %broadcast_in_dim3A_684 : i32 to vector<16xi32>
        %parallel_loop3A = arith.constant 16 : i32
        %parallel_loop3A_686 = arith.constant 2 : i32
        %parallel_loop3A_687:4 = scf.for %parallel_loop3A_692 = %and3A_681 to %parallel_loop3A step %parallel_loop3A_686 iter_args(%parallel_loop3A_693 = %scan3A_645, %parallel_loop3A_694 = %scan3A_646, %parallel_loop3A_695 = %broadcast_in_dim3A_683, %parallel_loop3A_696 = %broadcast_in_dim3A_685) -> (vector<16xf32>, vector<16xi32>, vector<16xf32>, vector<16xi32>)  : i32 {
          %parallel_loop3A_697 = arith.constant 16 : i32
          %parallel_loop3A_698 = arith.muli %parallel_loop3A_692, %parallel_loop3A_697 : i32
          %parallel_loop3A_699 = arith.index_cast %parallel_loop3A_698 : i32 to index
          %parallel_loop3A_700 = tpu.vector_load %arg5[%parallel_loop3A_699] {strides = array<i32>} : memref<256xf32, #tpu.memory_space<vmem>>, vector<16xf32>,
          %parallel_loop3A_701 = arith.index_cast %parallel_loop3A_698 : i32 to index
          %parallel_loop3A_702 = tpu.vector_load %arg6[%parallel_loop3A_701] {strides = array<i32>} : memref<256xf32, #tpu.memory_space<vmem>>, vector<16xf32>,
          %parallel_loop3A_703 = arith.index_cast %parallel_loop3A_698 : i32 to index
          %parallel_loop3A_704 = tpu.vector_load %arg7[%parallel_loop3A_703] {strides = array<i32>} : memref<256xf32, #tpu.memory_space<vmem>>, vector<16xf32>,
          %parallel_loop3A_705 = vector.broadcast %parallel_loop3A_698 : i32 to vector<16xi32>
          %parallel_loop3A_706 = arith.addi %parallel_loop3A_705, %iota3A : vector<16xi32>
          %parallel_loop3A_707 = vector.broadcast %reduce_sum3A_664 : f32 to vector<16xf32>
          %parallel_loop3A_708 = arith.subf %parallel_loop3A_700, %parallel_loop3A_707 : vector<16xf32>
          %parallel_loop3A_709 = vector.broadcast %add3A_443 : f32 to vector<16xf32>
          %parallel_loop3A_710 = arith.subf %parallel_loop3A_709, %parallel_loop3A_700 : vector<16xf32>
          %parallel_loop3A_711 = vector.broadcast %reduce_sum3A_673 : f32 to vector<16xf32>
          %parallel_loop3A_712 = arith.mulf %parallel_loop3A_711, %parallel_loop3A_700 : vector<16xf32>
          %parallel_loop3A_713 = vector.broadcast %reduce_sum3A_664 : f32 to vector<16xf32>
          %parallel_loop3A_714 = arith.mulf %parallel_loop3A_713, %parallel_loop3A_702 : vector<16xf32>
          %parallel_loop3A_715 = arith.subf %parallel_loop3A_712, %parallel_loop3A_714 : vector<16xf32>
          %parallel_loop3A_716 = vector.broadcast %sub3A_679 : f32 to vector<16xf32>
          %parallel_loop3A_717 = arith.subf %parallel_loop3A_716, %parallel_loop3A_715 : vector<16xf32>
          %parallel_loop3A_718 = arith.subf %parallel_loop3A_704, %parallel_loop3A_717 : vector<16xf32>
          %parallel_loop3A_719 = arith.mulf %parallel_loop3A_715, %parallel_loop3A_715 : vector<16xf32>
          %parallel_loop3A_720 = arith.mulf %parallel_loop3A_710, %parallel_loop3A_719 : vector<16xf32>
          %parallel_loop3A_721 = arith.mulf %parallel_loop3A_717, %parallel_loop3A_717 : vector<16xf32>
          %parallel_loop3A_722 = arith.mulf %parallel_loop3A_708, %parallel_loop3A_721 : vector<16xf32>
          %parallel_loop3A_723 = arith.addf %parallel_loop3A_720, %parallel_loop3A_722 : vector<16xf32>
          %parallel_loop3A_724 = arith.mulf %parallel_loop3A_718, %parallel_loop3A_718 : vector<16xf32>
          %parallel_loop3A_725 = vector.broadcast %reduce_sum3A_664 : f32 to vector<16xf32>
          %parallel_loop3A_726 = arith.mulf %parallel_loop3A_725, %parallel_loop3A_724 : vector<16xf32>
          %parallel_loop3A_727 = arith.addf %parallel_loop3A_723, %parallel_loop3A_726 : vector<16xf32>
          %parallel_loop3A_728 = vector.broadcast %reduce_sum3A_664 : f32 to vector<16xf32>
          %parallel_loop3A_729 = arith.mulf %parallel_loop3A_728, %parallel_loop3A_708 : vector<16xf32>
          %parallel_loop3A_730 = arith.mulf %parallel_loop3A_729, %parallel_loop3A_710 : vector<16xf32>
          %parallel_loop3A_731 = arith.divf %parallel_loop3A_727, %parallel_loop3A_730 : vector<16xf32>
          %parallel_loop3A_732 = arith.cmpf one, %parallel_loop3A_731, %parallel_loop3A_731 : vector<16xf32>
          %parallel_loop3A_733 = arith.constant 0.000000e+00 : f32
          %parallel_loop3A_734 = vector.broadcast %parallel_loop3A_733 : f32 to vector<16xf32>
          %parallel_loop3A_735 = arith.cmpf oeq, %parallel_loop3A_730, %parallel_loop3A_734 : vector<16xf32>
          %parallel_loop3A_736 = arith.ori %parallel_loop3A_732, %parallel_loop3A_735 : vector<16xi1>
          %parallel_loop3A_737 = arith.constant 0.000000e+00 : f32
          %parallel_loop3A_738 = vector.broadcast %parallel_loop3A_737 : f32 to vector<16xf32>
          %parallel_loop3A_739 = arith.select %parallel_loop3A_736, %parallel_loop3A_738, %parallel_loop3A_731 : vector<16xi1>, vector<16xf32>
          %parallel_loop3A_740 = vector.broadcast %add3A_651 : i32 to vector<16xi32>
          %parallel_loop3A_741 = arith.cmpi sgt, %parallel_loop3A_706, %parallel_loop3A_740 : vector<16xi32>
          %parallel_loop3A_742 = arith.constant -1.000000e+00 : f32
          %parallel_loop3A_743 = vector.broadcast %parallel_loop3A_742 : f32 to vector<16xf32>
          %parallel_loop3A_744 = arith.select %parallel_loop3A_741, %parallel_loop3A_739, %parallel_loop3A_743 : vector<16xi1>, vector<16xf32>
          %parallel_loop3A_745 = arith.constant 256 : i32
          %parallel_loop3A_746 = arith.muli %add3A_651, %parallel_loop3A_745 : i32
          %parallel_loop3A_747 = vector.broadcast %parallel_loop3A_746 : i32 to vector<16xi32>
          %parallel_loop3A_748 = arith.addi %parallel_loop3A_747, %parallel_loop3A_706 : vector<16xi32>
          %parallel_loop3A_749 = arith.cmpf ogt, %parallel_loop3A_744, %parallel_loop3A_693 : vector<16xf32>
          %parallel_loop3A_750 = arith.select %parallel_loop3A_749, %parallel_loop3A_744, %parallel_loop3A_693 : vector<16xi1>, vector<16xf32>
          %parallel_loop3A_751 = arith.select %parallel_loop3A_749, %parallel_loop3A_748, %parallel_loop3A_694 : vector<16xi1>, vector<16xi32>
          %parallel_loop3A_752 = arith.constant 1 : i32
          %parallel_loop3A_753 = arith.addi %parallel_loop3A_692, %parallel_loop3A_752 : i32
          %parallel_loop3A_754 = arith.constant 16 : i32
          %parallel_loop3A_755 = arith.muli %parallel_loop3A_753, %parallel_loop3A_754 : i32
          %parallel_loop3A_756 = arith.index_cast %parallel_loop3A_755 : i32 to index
          %parallel_loop3A_757 = tpu.vector_load %arg5[%parallel_loop3A_756] {strides = array<i32>} : memref<256xf32, #tpu.memory_space<vmem>>, vector<16xf32>,
          %parallel_loop3A_758 = arith.index_cast %parallel_loop3A_755 : i32 to index
          %parallel_loop3A_759 = tpu.vector_load %arg6[%parallel_loop3A_758] {strides = array<i32>} : memref<256xf32, #tpu.memory_space<vmem>>, vector<16xf32>,
          %parallel_loop3A_760 = arith.index_cast %parallel_loop3A_755 : i32 to index
          %parallel_loop3A_761 = tpu.vector_load %arg7[%parallel_loop3A_760] {strides = array<i32>} : memref<256xf32, #tpu.memory_space<vmem>>, vector<16xf32>,
          %parallel_loop3A_762 = vector.broadcast %parallel_loop3A_755 : i32 to vector<16xi32>
          %parallel_loop3A_763 = arith.addi %parallel_loop3A_762, %iota3A : vector<16xi32>
          %parallel_loop3A_764 = vector.broadcast %reduce_sum3A_664 : f32 to vector<16xf32>
          %parallel_loop3A_765 = arith.subf %parallel_loop3A_757, %parallel_loop3A_764 : vector<16xf32>
          %parallel_loop3A_766 = vector.broadcast %add3A_443 : f32 to vector<16xf32>
          %parallel_loop3A_767 = arith.subf %parallel_loop3A_766, %parallel_loop3A_757 : vector<16xf32>
          %parallel_loop3A_768 = vector.broadcast %reduce_sum3A_673 : f32 to vector<16xf32>
          %parallel_loop3A_769 = arith.mulf %parallel_loop3A_768, %parallel_loop3A_757 : vector<16xf32>
          %parallel_loop3A_770 = vector.broadcast %reduce_sum3A_664 : f32 to vector<16xf32>
          %parallel_loop3A_771 = arith.mulf %parallel_loop3A_770, %parallel_loop3A_759 : vector<16xf32>
          %parallel_loop3A_772 = arith.subf %parallel_loop3A_769, %parallel_loop3A_771 : vector<16xf32>
          %parallel_loop3A_773 = vector.broadcast %sub3A_679 : f32 to vector<16xf32>
          %parallel_loop3A_774 = arith.subf %parallel_loop3A_773, %parallel_loop3A_772 : vector<16xf32>
          %parallel_loop3A_775 = arith.subf %parallel_loop3A_761, %parallel_loop3A_774 : vector<16xf32>
          %parallel_loop3A_776 = arith.mulf %parallel_loop3A_772, %parallel_loop3A_772 : vector<16xf32>
          %parallel_loop3A_777 = arith.mulf %parallel_loop3A_767, %parallel_loop3A_776 : vector<16xf32>
          %parallel_loop3A_778 = arith.mulf %parallel_loop3A_774, %parallel_loop3A_774 : vector<16xf32>
          %parallel_loop3A_779 = arith.mulf %parallel_loop3A_765, %parallel_loop3A_778 : vector<16xf32>
          %parallel_loop3A_780 = arith.addf %parallel_loop3A_777, %parallel_loop3A_779 : vector<16xf32>
          %parallel_loop3A_781 = arith.mulf %parallel_loop3A_775, %parallel_loop3A_775 : vector<16xf32>
          %parallel_loop3A_782 = vector.broadcast %reduce_sum3A_664 : f32 to vector<16xf32>
          %parallel_loop3A_783 = arith.mulf %parallel_loop3A_782, %parallel_loop3A_781 : vector<16xf32>
          %parallel_loop3A_784 = arith.addf %parallel_loop3A_780, %parallel_loop3A_783 : vector<16xf32>
          %parallel_loop3A_785 = vector.broadcast %reduce_sum3A_664 : f32 to vector<16xf32>
          %parallel_loop3A_786 = arith.mulf %parallel_loop3A_785, %parallel_loop3A_765 : vector<16xf32>
          %parallel_loop3A_787 = arith.mulf %parallel_loop3A_786, %parallel_loop3A_767 : vector<16xf32>
          %parallel_loop3A_788 = arith.divf %parallel_loop3A_784, %parallel_loop3A_787 : vector<16xf32>
          %parallel_loop3A_789 = arith.cmpf one, %parallel_loop3A_788, %parallel_loop3A_788 : vector<16xf32>
          %parallel_loop3A_790 = arith.constant 0.000000e+00 : f32
          %parallel_loop3A_791 = vector.broadcast %parallel_loop3A_790 : f32 to vector<16xf32>
          %parallel_loop3A_792 = arith.cmpf oeq, %parallel_loop3A_787, %parallel_loop3A_791 : vector<16xf32>
          %parallel_loop3A_793 = arith.ori %parallel_loop3A_789, %parallel_loop3A_792 : vector<16xi1>
          %parallel_loop3A_794 = arith.constant 0.000000e+00 : f32
          %parallel_loop3A_795 = vector.broadcast %parallel_loop3A_794 : f32 to vector<16xf32>
          %parallel_loop3A_796 = arith.select %parallel_loop3A_793, %parallel_loop3A_795, %parallel_loop3A_788 : vector<16xi1>, vector<16xf32>
          %parallel_loop3A_797 = vector.broadcast %add3A_651 : i32 to vector<16xi32>
          %parallel_loop3A_798 = arith.cmpi sgt, %parallel_loop3A_763, %parallel_loop3A_797 : vector<16xi32>
          %parallel_loop3A_799 = arith.constant -1.000000e+00 : f32
          %parallel_loop3A_800 = vector.broadcast %parallel_loop3A_799 : f32 to vector<16xf32>
          %parallel_loop3A_801 = arith.select %parallel_loop3A_798, %parallel_loop3A_796, %parallel_loop3A_800 : vector<16xi1>, vector<16xf32>
          %parallel_loop3A_802 = arith.constant 256 : i32
          %parallel_loop3A_803 = arith.muli %add3A_651, %parallel_loop3A_802 : i32
          %parallel_loop3A_804 = vector.broadcast %parallel_loop3A_803 : i32 to vector<16xi32>
          %parallel_loop3A_805 = arith.addi %parallel_loop3A_804, %parallel_loop3A_763 : vector<16xi32>
          %parallel_loop3A_806 = arith.cmpf ogt, %parallel_loop3A_801, %parallel_loop3A_695 : vector<16xf32>
          %parallel_loop3A_807 = arith.select %parallel_loop3A_806, %parallel_loop3A_801, %parallel_loop3A_695 : vector<16xi1>, vector<16xf32>
          %parallel_loop3A_808 = arith.select %parallel_loop3A_806, %parallel_loop3A_805, %parallel_loop3A_696 : vector<16xi1>, vector<16xi32>
          scf.yield %parallel_loop3A_750, %parallel_loop3A_751, %parallel_loop3A_807, %parallel_loop3A_808 : vector<16xf32>, vector<16xi32>, vector<16xf32>, vector<16xi32>
        } {sc.loop_unroll_factor = 4 : i64, sc.parallel_access}
        %gt3A = arith.cmpf ogt, %parallel_loop3A_687#2, %parallel_loop3A_687#0 : vector<16xf32>
        %eq3A_688 = arith.cmpf oeq, %parallel_loop3A_687#2, %parallel_loop3A_687#0 : vector<16xf32>
        %lt3A = arith.cmpi slt, %parallel_loop3A_687#3, %parallel_loop3A_687#1 : vector<16xi32>
        %and3A_689 = arith.andi %eq3A_688, %lt3A : vector<16xi1>
        %or3A = arith.ori %gt3A, %and3A_689 : vector<16xi1>
        %select_n3A_690 = arith.select %or3A, %parallel_loop3A_687#2, %parallel_loop3A_687#0 : vector<16xi1>, vector<16xf32>
        %select_n3A_691 = arith.select %or3A, %parallel_loop3A_687#3, %parallel_loop3A_687#1 : vector<16xi1>, vector<16xi32>
        scf.yield %select_n3A_690, %select_n3A_691 : vector<16xf32>, vector<16xi32>
      }
      %scan3A_630 = arith.constant 16 : i32
      %swap3A_631 = arith.constant 0 : index
      %swap3A_632 = tpu.vector_load %arg8[%swap3A_631] {strides = array<i32>} : memref<32xf32, #tpu.memory_space<vmem>>, vector<16xf32>,
      tpu.vector_store %arg8[%swap3A_631], %scan3A_629#0 {strides = array<i32>} : memref<32xf32, #tpu.memory_space<vmem>>, vector<16xf32>,
      %bitcast3A = vector.bitcast %scan3A_629#1 : vector<16xi32> to vector<16xf32>
      %swap3A_633 = arith.constant 16 : index
      %swap3A_634 = tpu.vector_load %arg8[%swap3A_633] {strides = array<i32>} : memref<32xf32, #tpu.memory_space<vmem>>, vector<16xf32>,
      tpu.vector_store %arg8[%swap3A_633], %bitcast3A {strides = array<i32>} : memref<32xf32, #tpu.memory_space<vmem>>, vector<16xf32>,
      %mul3A_635 = arith.constant 2 : i32
      %mul3A_636 = arith.muli %arg1, %mul3A_635 : i32
      %mul3A_637 = arith.constant 16 : i32
      %mul3A_638 = arith.muli %mul3A_636, %mul3A_637 : i32
      "tpu.region"() ({
        %run_scoped3A = tpu.sem_alloc : memref<!tpu.dma_semaphore, #tpu.memory_space<semaphore_mem>>
        %dma_start3A = tpu.memref_slice %arg9[%mul3A_638] : memref<512xf32, #tpu.memory_space<vmem_shared>> -> memref<32xf32, #tpu.memory_space<vmem_shared>>
        %dma_start3A_644 = tpu.memref_slice %arg9[%mul3A_638] : memref<512xf32, #tpu.memory_space<vmem_shared>> -> memref<32xf32, #tpu.memory_space<vmem_shared>>
        tpu.enqueue_dma source(%arg8 : memref<32xf32, #tpu.memory_space<vmem>>) target(%dma_start3A_644 : memref<32xf32, #tpu.memory_space<vmem_shared>>) target_semaphore(%run_scoped3A : memref<!tpu.dma_semaphore, #tpu.memory_space<semaphore_mem>>)
        %dma_wait3A = tpu.memref_slice %arg9[%mul3A_638] : memref<512xf32, #tpu.memory_space<vmem_shared>> -> memref<32xf32, #tpu.memory_space<vmem_shared>>
        %dma_wait3A_645 = tpu.memref_slice %arg9[%mul3A_638] : memref<512xf32, #tpu.memory_space<vmem_shared>> -> memref<32xf32, #tpu.memory_space<vmem_shared>>
        tpu.wait_dma2 semaphore(%run_scoped3A : memref<!tpu.dma_semaphore, #tpu.memory_space<semaphore_mem>>) src(%arg8 : memref<32xf32, #tpu.memory_space<vmem>>) dst(%dma_wait3A_645 : memref<32xf32, #tpu.memory_space<vmem_shared>>)
        tpu.yield
      }) : () -> ()
      %barrier3A = arith.constant 0 : index
      tpu.barrier barrier_id(%barrier3A)
      %eq3A_639 = arith.constant 0 : i32
      %eq3A_640 = arith.cmpi eq, %arg1, %eq3A_639 : i32
      %convert_element_type3A_641 = arith.extui %eq3A_640 : i1 to i32
      %cond3A_642 = arith.constant 0 : i32
      %cond3A_643 = arith.cmpi ne, %convert_element_type3A_641, %cond3A_642 : i32
      scf.if %cond3A_643 {
        "tpu.region"() ({
          %run_scoped3A = tpu.sem_alloc : memref<!tpu.dma_semaphore, #tpu.memory_space<semaphore_mem>>
          tpu.enqueue_dma source(%arg9 : memref<512xf32, #tpu.memory_space<vmem_shared>>) target(%arg10 : memref<512xf32, #tpu.memory_space<vmem>>) target_semaphore(%run_scoped3A : memref<!tpu.dma_semaphore, #tpu.memory_space<semaphore_mem>>)
          tpu.wait_dma2 semaphore(%run_scoped3A : memref<!tpu.dma_semaphore, #tpu.memory_space<semaphore_mem>>) src(%arg9 : memref<512xf32, #tpu.memory_space<vmem_shared>>) dst(%arg10 : memref<512xf32, #tpu.memory_space<vmem>>)
          tpu.yield
        }) : () -> ()
        %get3A_644 = arith.constant 0 : index
        %get3A_645 = tpu.vector_load %arg10[%get3A_644] {strides = array<i32>} : memref<512xf32, #tpu.memory_space<vmem>>, vector<16xf32>,
        %get3A_646 = arith.constant 16 : index
        %get3A_647 = tpu.vector_load %arg10[%get3A_646] {strides = array<i32>} : memref<512xf32, #tpu.memory_space<vmem>>, vector<16xf32>,
        %bitcast3A_648 = vector.bitcast %get3A_647 : vector<16xf32> to vector<16xi32>
        %get3A_649 = arith.constant 32 : index
        %get3A_650 = tpu.vector_load %arg10[%get3A_649] {strides = array<i32>} : memref<512xf32, #tpu.memory_space<vmem>>, vector<16xf32>,
        %get3A_651 = arith.constant 48 : index
        %get3A_652 = tpu.vector_load %arg10[%get3A_651] {strides = array<i32>} : memref<512xf32, #tpu.memory_space<vmem>>, vector<16xf32>,
        %bitcast3A_653 = vector.bitcast %get3A_652 : vector<16xf32> to vector<16xi32>
        %gt3A = arith.cmpf ogt, %get3A_650, %get3A_645 : vector<16xf32>
        %eq3A_654 = arith.cmpf oeq, %get3A_650, %get3A_645 : vector<16xf32>
        %lt3A = arith.cmpi slt, %bitcast3A_653, %bitcast3A_648 : vector<16xi32>
        %and3A = arith.andi %eq3A_654, %lt3A : vector<16xi1>
        %or3A = arith.ori %gt3A, %and3A : vector<16xi1>
        %select_n3A = arith.select %or3A, %get3A_650, %get3A_645 : vector<16xi1>, vector<16xf32>
        %select_n3A_655 = arith.select %or3A, %bitcast3A_653, %bitcast3A_648 : vector<16xi1>, vector<16xi32>
        %get3A_656 = arith.constant 64 : index
        %get3A_657 = tpu.vector_load %arg10[%get3A_656] {strides = array<i32>} : memref<512xf32, #tpu.memory_space<vmem>>, vector<16xf32>,
        %get3A_658 = arith.constant 80 : index
        %get3A_659 = tpu.vector_load %arg10[%get3A_658] {strides = array<i32>} : memref<512xf32, #tpu.memory_space<vmem>>, vector<16xf32>,
        %bitcast3A_660 = vector.bitcast %get3A_659 : vector<16xf32> to vector<16xi32>
        %gt3A_661 = arith.cmpf ogt, %get3A_657, %select_n3A : vector<16xf32>
        %eq3A_662 = arith.cmpf oeq, %get3A_657, %select_n3A : vector<16xf32>
        %lt3A_663 = arith.cmpi slt, %bitcast3A_660, %select_n3A_655 : vector<16xi32>
        %and3A_664 = arith.andi %eq3A_662, %lt3A_663 : vector<16xi1>
        %or3A_665 = arith.ori %gt3A_661, %and3A_664 : vector<16xi1>
        %select_n3A_666 = arith.select %or3A_665, %get3A_657, %select_n3A : vector<16xi1>, vector<16xf32>
        %select_n3A_667 = arith.select %or3A_665, %bitcast3A_660, %select_n3A_655 : vector<16xi1>, vector<16xi32>
        %get3A_668 = arith.constant 96 : index
        %get3A_669 = tpu.vector_load %arg10[%get3A_668] {strides = array<i32>} : memref<512xf32, #tpu.memory_space<vmem>>, vector<16xf32>,
        %get3A_670 = arith.constant 112 : index
        %get3A_671 = tpu.vector_load %arg10[%get3A_670] {strides = array<i32>} : memref<512xf32, #tpu.memory_space<vmem>>, vector<16xf32>,
        %bitcast3A_672 = vector.bitcast %get3A_671 : vector<16xf32> to vector<16xi32>
        %gt3A_673 = arith.cmpf ogt, %get3A_669, %select_n3A_666 : vector<16xf32>
        %eq3A_674 = arith.cmpf oeq, %get3A_669, %select_n3A_666 : vector<16xf32>
        %lt3A_675 = arith.cmpi slt, %bitcast3A_672, %select_n3A_667 : vector<16xi32>
        %and3A_676 = arith.andi %eq3A_674, %lt3A_675 : vector<16xi1>
        %or3A_677 = arith.ori %gt3A_673, %and3A_676 : vector<16xi1>
        %select_n3A_678 = arith.select %or3A_677, %get3A_669, %select_n3A_666 : vector<16xi1>, vector<16xf32>
        %select_n3A_679 = arith.select %or3A_677, %bitcast3A_672, %select_n3A_667 : vector<16xi1>, vector<16xi32>
        %get3A_680 = arith.constant 128 : index
        %get3A_681 = tpu.vector_load %arg10[%get3A_680] {strides = array<i32>} : memref<512xf32, #tpu.memory_space<vmem>>, vector<16xf32>,
        %get3A_682 = arith.constant 144 : index
        %get3A_683 = tpu.vector_load %arg10[%get3A_682] {strides = array<i32>} : memref<512xf32, #tpu.memory_space<vmem>>, vector<16xf32>,
        %bitcast3A_684 = vector.bitcast %get3A_683 : vector<16xf32> to vector<16xi32>
        %gt3A_685 = arith.cmpf ogt, %get3A_681, %select_n3A_678 : vector<16xf32>
        %eq3A_686 = arith.cmpf oeq, %get3A_681, %select_n3A_678 : vector<16xf32>
        %lt3A_687 = arith.cmpi slt, %bitcast3A_684, %select_n3A_679 : vector<16xi32>
        %and3A_688 = arith.andi %eq3A_686, %lt3A_687 : vector<16xi1>
        %or3A_689 = arith.ori %gt3A_685, %and3A_688 : vector<16xi1>
        %select_n3A_690 = arith.select %or3A_689, %get3A_681, %select_n3A_678 : vector<16xi1>, vector<16xf32>
        %select_n3A_691 = arith.select %or3A_689, %bitcast3A_684, %select_n3A_679 : vector<16xi1>, vector<16xi32>
        %get3A_692 = arith.constant 160 : index
        %get3A_693 = tpu.vector_load %arg10[%get3A_692] {strides = array<i32>} : memref<512xf32, #tpu.memory_space<vmem>>, vector<16xf32>,
        %get3A_694 = arith.constant 176 : index
        %get3A_695 = tpu.vector_load %arg10[%get3A_694] {strides = array<i32>} : memref<512xf32, #tpu.memory_space<vmem>>, vector<16xf32>,
        %bitcast3A_696 = vector.bitcast %get3A_695 : vector<16xf32> to vector<16xi32>
        %gt3A_697 = arith.cmpf ogt, %get3A_693, %select_n3A_690 : vector<16xf32>
        %eq3A_698 = arith.cmpf oeq, %get3A_693, %select_n3A_690 : vector<16xf32>
        %lt3A_699 = arith.cmpi slt, %bitcast3A_696, %select_n3A_691 : vector<16xi32>
        %and3A_700 = arith.andi %eq3A_698, %lt3A_699 : vector<16xi1>
        %or3A_701 = arith.ori %gt3A_697, %and3A_700 : vector<16xi1>
        %select_n3A_702 = arith.select %or3A_701, %get3A_693, %select_n3A_690 : vector<16xi1>, vector<16xf32>
        %select_n3A_703 = arith.select %or3A_701, %bitcast3A_696, %select_n3A_691 : vector<16xi1>, vector<16xi32>
        %get3A_704 = arith.constant 192 : index
        %get3A_705 = tpu.vector_load %arg10[%get3A_704] {strides = array<i32>} : memref<512xf32, #tpu.memory_space<vmem>>, vector<16xf32>,
        %get3A_706 = arith.constant 208 : index
        %get3A_707 = tpu.vector_load %arg10[%get3A_706] {strides = array<i32>} : memref<512xf32, #tpu.memory_space<vmem>>, vector<16xf32>,
        %bitcast3A_708 = vector.bitcast %get3A_707 : vector<16xf32> to vector<16xi32>
        %gt3A_709 = arith.cmpf ogt, %get3A_705, %select_n3A_702 : vector<16xf32>
        %eq3A_710 = arith.cmpf oeq, %get3A_705, %select_n3A_702 : vector<16xf32>
        %lt3A_711 = arith.cmpi slt, %bitcast3A_708, %select_n3A_703 : vector<16xi32>
        %and3A_712 = arith.andi %eq3A_710, %lt3A_711 : vector<16xi1>
        %or3A_713 = arith.ori %gt3A_709, %and3A_712 : vector<16xi1>
        %select_n3A_714 = arith.select %or3A_713, %get3A_705, %select_n3A_702 : vector<16xi1>, vector<16xf32>
        %select_n3A_715 = arith.select %or3A_713, %bitcast3A_708, %select_n3A_703 : vector<16xi1>, vector<16xi32>
        %get3A_716 = arith.constant 224 : index
        %get3A_717 = tpu.vector_load %arg10[%get3A_716] {strides = array<i32>} : memref<512xf32, #tpu.memory_space<vmem>>, vector<16xf32>,
        %get3A_718 = arith.constant 240 : index
        %get3A_719 = tpu.vector_load %arg10[%get3A_718] {strides = array<i32>} : memref<512xf32, #tpu.memory_space<vmem>>, vector<16xf32>,
        %bitcast3A_720 = vector.bitcast %get3A_719 : vector<16xf32> to vector<16xi32>
        %gt3A_721 = arith.cmpf ogt, %get3A_717, %select_n3A_714 : vector<16xf32>
        %eq3A_722 = arith.cmpf oeq, %get3A_717, %select_n3A_714 : vector<16xf32>
        %lt3A_723 = arith.cmpi slt, %bitcast3A_720, %select_n3A_715 : vector<16xi32>
        %and3A_724 = arith.andi %eq3A_722, %lt3A_723 : vector<16xi1>
        %or3A_725 = arith.ori %gt3A_721, %and3A_724 : vector<16xi1>
        %select_n3A_726 = arith.select %or3A_725, %get3A_717, %select_n3A_714 : vector<16xi1>, vector<16xf32>
        %select_n3A_727 = arith.select %or3A_725, %bitcast3A_720, %select_n3A_715 : vector<16xi1>, vector<16xi32>
        %get3A_728 = arith.constant 256 : index
        %get3A_729 = tpu.vector_load %arg10[%get3A_728] {strides = array<i32>} : memref<512xf32, #tpu.memory_space<vmem>>, vector<16xf32>,
        %get3A_730 = arith.constant 272 : index
        %get3A_731 = tpu.vector_load %arg10[%get3A_730] {strides = array<i32>} : memref<512xf32, #tpu.memory_space<vmem>>, vector<16xf32>,
        %bitcast3A_732 = vector.bitcast %get3A_731 : vector<16xf32> to vector<16xi32>
        %gt3A_733 = arith.cmpf ogt, %get3A_729, %select_n3A_726 : vector<16xf32>
        %eq3A_734 = arith.cmpf oeq, %get3A_729, %select_n3A_726 : vector<16xf32>
        %lt3A_735 = arith.cmpi slt, %bitcast3A_732, %select_n3A_727 : vector<16xi32>
        %and3A_736 = arith.andi %eq3A_734, %lt3A_735 : vector<16xi1>
        %or3A_737 = arith.ori %gt3A_733, %and3A_736 : vector<16xi1>
        %select_n3A_738 = arith.select %or3A_737, %get3A_729, %select_n3A_726 : vector<16xi1>, vector<16xf32>
        %select_n3A_739 = arith.select %or3A_737, %bitcast3A_732, %select_n3A_727 : vector<16xi1>, vector<16xi32>
        %get3A_740 = arith.constant 288 : index
        %get3A_741 = tpu.vector_load %arg10[%get3A_740] {strides = array<i32>} : memref<512xf32, #tpu.memory_space<vmem>>, vector<16xf32>,
        %get3A_742 = arith.constant 304 : index
        %get3A_743 = tpu.vector_load %arg10[%get3A_742] {strides = array<i32>} : memref<512xf32, #tpu.memory_space<vmem>>, vector<16xf32>,
        %bitcast3A_744 = vector.bitcast %get3A_743 : vector<16xf32> to vector<16xi32>
        %gt3A_745 = arith.cmpf ogt, %get3A_741, %select_n3A_738 : vector<16xf32>
        %eq3A_746 = arith.cmpf oeq, %get3A_741, %select_n3A_738 : vector<16xf32>
        %lt3A_747 = arith.cmpi slt, %bitcast3A_744, %select_n3A_739 : vector<16xi32>
        %and3A_748 = arith.andi %eq3A_746, %lt3A_747 : vector<16xi1>
        %or3A_749 = arith.ori %gt3A_745, %and3A_748 : vector<16xi1>
        %select_n3A_750 = arith.select %or3A_749, %get3A_741, %select_n3A_738 : vector<16xi1>, vector<16xf32>
        %select_n3A_751 = arith.select %or3A_749, %bitcast3A_744, %select_n3A_739 : vector<16xi1>, vector<16xi32>
        %get3A_752 = arith.constant 320 : index
        %get3A_753 = tpu.vector_load %arg10[%get3A_752] {strides = array<i32>} : memref<512xf32, #tpu.memory_space<vmem>>, vector<16xf32>,
        %get3A_754 = arith.constant 336 : index
        %get3A_755 = tpu.vector_load %arg10[%get3A_754] {strides = array<i32>} : memref<512xf32, #tpu.memory_space<vmem>>, vector<16xf32>,
        %bitcast3A_756 = vector.bitcast %get3A_755 : vector<16xf32> to vector<16xi32>
        %gt3A_757 = arith.cmpf ogt, %get3A_753, %select_n3A_750 : vector<16xf32>
        %eq3A_758 = arith.cmpf oeq, %get3A_753, %select_n3A_750 : vector<16xf32>
        %lt3A_759 = arith.cmpi slt, %bitcast3A_756, %select_n3A_751 : vector<16xi32>
        %and3A_760 = arith.andi %eq3A_758, %lt3A_759 : vector<16xi1>
        %or3A_761 = arith.ori %gt3A_757, %and3A_760 : vector<16xi1>
        %select_n3A_762 = arith.select %or3A_761, %get3A_753, %select_n3A_750 : vector<16xi1>, vector<16xf32>
        %select_n3A_763 = arith.select %or3A_761, %bitcast3A_756, %select_n3A_751 : vector<16xi1>, vector<16xi32>
        %get3A_764 = arith.constant 352 : index
        %get3A_765 = tpu.vector_load %arg10[%get3A_764] {strides = array<i32>} : memref<512xf32, #tpu.memory_space<vmem>>, vector<16xf32>,
        %get3A_766 = arith.constant 368 : index
        %get3A_767 = tpu.vector_load %arg10[%get3A_766] {strides = array<i32>} : memref<512xf32, #tpu.memory_space<vmem>>, vector<16xf32>,
        %bitcast3A_768 = vector.bitcast %get3A_767 : vector<16xf32> to vector<16xi32>
        %gt3A_769 = arith.cmpf ogt, %get3A_765, %select_n3A_762 : vector<16xf32>
        %eq3A_770 = arith.cmpf oeq, %get3A_765, %select_n3A_762 : vector<16xf32>
        %lt3A_771 = arith.cmpi slt, %bitcast3A_768, %select_n3A_763 : vector<16xi32>
        %and3A_772 = arith.andi %eq3A_770, %lt3A_771 : vector<16xi1>
        %or3A_773 = arith.ori %gt3A_769, %and3A_772 : vector<16xi1>
        %select_n3A_774 = arith.select %or3A_773, %get3A_765, %select_n3A_762 : vector<16xi1>, vector<16xf32>
        %select_n3A_775 = arith.select %or3A_773, %bitcast3A_768, %select_n3A_763 : vector<16xi1>, vector<16xi32>
        %get3A_776 = arith.constant 384 : index
        %get3A_777 = tpu.vector_load %arg10[%get3A_776] {strides = array<i32>} : memref<512xf32, #tpu.memory_space<vmem>>, vector<16xf32>,
        %get3A_778 = arith.constant 400 : index
        %get3A_779 = tpu.vector_load %arg10[%get3A_778] {strides = array<i32>} : memref<512xf32, #tpu.memory_space<vmem>>, vector<16xf32>,
        %bitcast3A_780 = vector.bitcast %get3A_779 : vector<16xf32> to vector<16xi32>
        %gt3A_781 = arith.cmpf ogt, %get3A_777, %select_n3A_774 : vector<16xf32>
        %eq3A_782 = arith.cmpf oeq, %get3A_777, %select_n3A_774 : vector<16xf32>
        %lt3A_783 = arith.cmpi slt, %bitcast3A_780, %select_n3A_775 : vector<16xi32>
        %and3A_784 = arith.andi %eq3A_782, %lt3A_783 : vector<16xi1>
        %or3A_785 = arith.ori %gt3A_781, %and3A_784 : vector<16xi1>
        %select_n3A_786 = arith.select %or3A_785, %get3A_777, %select_n3A_774 : vector<16xi1>, vector<16xf32>
        %select_n3A_787 = arith.select %or3A_785, %bitcast3A_780, %select_n3A_775 : vector<16xi1>, vector<16xi32>
        %get3A_788 = arith.constant 416 : index
        %get3A_789 = tpu.vector_load %arg10[%get3A_788] {strides = array<i32>} : memref<512xf32, #tpu.memory_space<vmem>>, vector<16xf32>,
        %get3A_790 = arith.constant 432 : index
        %get3A_791 = tpu.vector_load %arg10[%get3A_790] {strides = array<i32>} : memref<512xf32, #tpu.memory_space<vmem>>, vector<16xf32>,
        %bitcast3A_792 = vector.bitcast %get3A_791 : vector<16xf32> to vector<16xi32>
        %gt3A_793 = arith.cmpf ogt, %get3A_789, %select_n3A_786 : vector<16xf32>
        %eq3A_794 = arith.cmpf oeq, %get3A_789, %select_n3A_786 : vector<16xf32>
        %lt3A_795 = arith.cmpi slt, %bitcast3A_792, %select_n3A_787 : vector<16xi32>
        %and3A_796 = arith.andi %eq3A_794, %lt3A_795 : vector<16xi1>
        %or3A_797 = arith.ori %gt3A_793, %and3A_796 : vector<16xi1>
        %select_n3A_798 = arith.select %or3A_797, %get3A_789, %select_n3A_786 : vector<16xi1>, vector<16xf32>
        %select_n3A_799 = arith.select %or3A_797, %bitcast3A_792, %select_n3A_787 : vector<16xi1>, vector<16xi32>
        %get3A_800 = arith.constant 448 : index
        %get3A_801 = tpu.vector_load %arg10[%get3A_800] {strides = array<i32>} : memref<512xf32, #tpu.memory_space<vmem>>, vector<16xf32>,
        %get3A_802 = arith.constant 464 : index
        %get3A_803 = tpu.vector_load %arg10[%get3A_802] {strides = array<i32>} : memref<512xf32, #tpu.memory_space<vmem>>, vector<16xf32>,
        %bitcast3A_804 = vector.bitcast %get3A_803 : vector<16xf32> to vector<16xi32>
        %gt3A_805 = arith.cmpf ogt, %get3A_801, %select_n3A_798 : vector<16xf32>
        %eq3A_806 = arith.cmpf oeq, %get3A_801, %select_n3A_798 : vector<16xf32>
        %lt3A_807 = arith.cmpi slt, %bitcast3A_804, %select_n3A_799 : vector<16xi32>
        %and3A_808 = arith.andi %eq3A_806, %lt3A_807 : vector<16xi1>
        %or3A_809 = arith.ori %gt3A_805, %and3A_808 : vector<16xi1>
        %select_n3A_810 = arith.select %or3A_809, %get3A_801, %select_n3A_798 : vector<16xi1>, vector<16xf32>
        %select_n3A_811 = arith.select %or3A_809, %bitcast3A_804, %select_n3A_799 : vector<16xi1>, vector<16xi32>
        %get3A_812 = arith.constant 480 : index
        %get3A_813 = tpu.vector_load %arg10[%get3A_812] {strides = array<i32>} : memref<512xf32, #tpu.memory_space<vmem>>, vector<16xf32>,
        %get3A_814 = arith.constant 496 : index
        %get3A_815 = tpu.vector_load %arg10[%get3A_814] {strides = array<i32>} : memref<512xf32, #tpu.memory_space<vmem>>, vector<16xf32>,
        %bitcast3A_816 = vector.bitcast %get3A_815 : vector<16xf32> to vector<16xi32>
        %gt3A_817 = arith.cmpf ogt, %get3A_813, %select_n3A_810 : vector<16xf32>
        %eq3A_818 = arith.cmpf oeq, %get3A_813, %select_n3A_810 : vector<16xf32>
        %lt3A_819 = arith.cmpi slt, %bitcast3A_816, %select_n3A_811 : vector<16xi32>
        %and3A_820 = arith.andi %eq3A_818, %lt3A_819 : vector<16xi1>
        %or3A_821 = arith.ori %gt3A_817, %and3A_820 : vector<16xi1>
        %select_n3A_822 = arith.select %or3A_821, %get3A_813, %select_n3A_810 : vector<16xi1>, vector<16xf32>
        %select_n3A_823 = arith.select %or3A_821, %bitcast3A_816, %select_n3A_811 : vector<16xi1>, vector<16xi32>
        %reduce_max3A = arith.constant true
        %reduce_max3A_824 = vector.broadcast %reduce_max3A : i1 to vector<16xi1>
        %reduce_max3A_825 = tpu.scan <max>, %select_n3A_822 masked %reduce_max3A_824 : vector<16xf32>, vector<16xi1> -> vector<16xf32>
        %reduce_max3A_826 = vector.extract %reduce_max3A_825[15] : f32 from vector<16xf32>
        %eq3A_827 = vector.broadcast %reduce_max3A_826 : f32 to vector<16xf32>
        %eq3A_828 = arith.cmpf oeq, %select_n3A_822, %eq3A_827 : vector<16xf32>
        %jit3A = arith.constant 1073741824 : i32
        %broadcast_in_dim3A_829 = vector.broadcast %jit3A : i32 to vector<16xi32>
        %select_n3A_830 = arith.select %eq3A_828, %select_n3A_823, %broadcast_in_dim3A_829 : vector<16xi1>, vector<16xi32>
        %reduce_min3A = arith.constant true
        %reduce_min3A_831 = vector.broadcast %reduce_min3A : i1 to vector<16xi1>
        %reduce_min3A_832 = arith.constant -2147483648 : i32
        %reduce_min3A_833 = vector.broadcast %reduce_min3A_832 : i32 to vector<16xi32>
        %reduce_min3A_834 = arith.xori %select_n3A_830, %reduce_min3A_833 : vector<16xi32>
        %reduce_min3A_835 = tpu.scan <min>, %reduce_min3A_834 masked %reduce_min3A_831 : vector<16xi32>, vector<16xi1> -> vector<16xi32>
        %reduce_min3A_836 = arith.xori %reduce_min3A_835, %reduce_min3A_833 : vector<16xi32>
        %reduce_min3A_837 = vector.extract %reduce_min3A_836[15] : i32 from vector<16xi32>
        %shift_right_logical3A = arith.constant 8 : i32
        %shift_right_logical3A_838 = arith.shrui %reduce_min3A_837, %shift_right_logical3A : i32
        %and3A_839 = arith.constant 255 : i32
        %and3A_840 = arith.andi %reduce_min3A_837, %and3A_839 : i32
        %eq3A_841 = arith.constant 0 : i32
        %eq3A_842 = vector.broadcast %eq3A_841 : i32 to vector<16xi32>
        %eq3A_843 = arith.cmpi eq, %iota3A, %eq3A_842 : vector<16xi32>
        %sub3A_844 = arith.constant 1 : i32
        %sub3A_845 = arith.subi %shift_right_logical3A_838, %sub3A_844 : i32
        %eq3A_846 = arith.constant 1 : i32
        %eq3A_847 = vector.broadcast %eq3A_846 : i32 to vector<16xi32>
        %eq3A_848 = arith.cmpi eq, %iota3A, %eq3A_847 : vector<16xi32>
        %sub3A_849 = arith.constant 1 : i32
        %sub3A_850 = arith.subi %and3A_840, %sub3A_849 : i32
        %jit3A_851 = arith.constant 0 : i32
        %broadcast_in_dim3A_852 = vector.broadcast %sub3A_850 : i32 to vector<16xi32>
        %broadcast_in_dim3A_853 = vector.broadcast %jit3A_851 : i32 to vector<16xi32>
        %select_n3A_854 = arith.select %eq3A_848, %broadcast_in_dim3A_852, %broadcast_in_dim3A_853 : vector<16xi1>, vector<16xi32>
        %broadcast_in_dim3A_855 = vector.broadcast %sub3A_845 : i32 to vector<16xi32>
        %select_n3A_856 = arith.select %eq3A_843, %broadcast_in_dim3A_855, %select_n3A_854 : vector<16xi1>, vector<16xi32>
        %swap3A_857 = arith.constant 0 : index
        %swap3A_858 = tpu.vector_load %arg11[%swap3A_857] {strides = array<i32>} : memref<16xi32, #tpu.memory_space<vmem>>, vector<16xi32>,
        tpu.vector_store %arg11[%swap3A_857], %select_n3A_856 {strides = array<i32>} : memref<16xi32, #tpu.memory_space<vmem>>, vector<16xi32>,
        "tpu.region"() ({
          %run_scoped3A = tpu.sem_alloc : memref<!tpu.dma_semaphore, #tpu.memory_space<semaphore_mem>>
          tpu.enqueue_dma source(%arg11 : memref<16xi32, #tpu.memory_space<vmem>>) target(%arg3 : memref<16xi32, #tpu.memory_space<hbm>>) target_semaphore(%run_scoped3A : memref<!tpu.dma_semaphore, #tpu.memory_space<semaphore_mem>>)
          tpu.wait_dma2 semaphore(%run_scoped3A : memref<!tpu.dma_semaphore, #tpu.memory_space<semaphore_mem>>) src(%arg11 : memref<16xi32, #tpu.memory_space<vmem>>) dst(%arg3 : memref<16xi32, #tpu.memory_space<hbm>>)
          tpu.yield
        }) : () -> ()
      } else {
      }
    } else {
    }
    return
  }
}

</mosaic_0001>

<sc_bundles>
// kernel: kernel.3.cloned.1.call-start
scs
__scs_entry_jumppad:
0x0: {  	(pc) =	sbr.rel $0x88, $3  }
0x1: {  	(tag) =	ssettag $0x0;
	lr =	simm.s32 $0x1  }
0x2: {  	[smem:$0x3FA0] =	sst lr;
	_ =	strace $0xD0000000  }
0x3: {  	_ = 	snop  }
0x4: {  	_ = 	snop  }
0x5: {  	_ = 	snop  }
0x6: {  	_ = 	snop  }
0x7: {  	_ = 	snop  }
__scs_overlays_trampoline_lowered:
0x8: {  	[smem:$0x3FAF] =	sst s0  }
0x9: {  	[smem:$0x3FB0] =	sst s1  }
0xa: {  	[smem:$0x3FB1] =	sst s2  }
0xb: {  	[smem:$0x3FB2] =	sst s3  }
0xc: {  	[smem:$0x3FB3] =	sst s4  }
0xd: {  	[smem:$0x3FB4] =	sst s5  }
0xe: {  	[smem:$0x3FB5] =	sst s6  }
0xf: {  	[smem:$0x3FB6] =	sst s7  }
0x10: {  	[smem:$0x3FB7] =	sst s8  }
0x11: {  	[smem:$0x3FB8] =	sst s9;
	s0 =	simm.s32 @!p0 $0x0  }
0x12: {  	s1 =	sld [smem:$0x3F9E];
	s0 =	simm.s32 @p0 $0x1  }
0x13: {  	[smem:$0x3FB9] =	sst s0;
	s0 =	simm.s32 @!p1 $0x0  }
0x14: {  	s2 =	sld [smem:$0x3F9D];
	s0 =	simm.s32 @p1 $0x1  }
0x15: {  	[smem:$0x3FBA] =	sst s0;
	s0 =	simm.s32 @!p2 $0x0  }
0x16: {  	s3 =	sld [smem:$0x3FDB];
	s0 =	simm.s32 @p2 $0x1  }
0x17: {  	s4 =	simm.s32 $0x1BF5;
	[smem:$0x3FBC] =	sst s0  }
0x18: {  	s0 =	sld [smem:$0x3F9F];
	_ =	swait.ge [sflag:s4], $0x0  }
0x19: {  	s7 =	sld [smem:$0x3FA0]  }
0x1a: {  	s8 =	sadd.s32 $0xFFFFE003, lr  }
0x1b: {  	s9 =	sadd.s32 $0xFFFFFEF7, lr;
	s5 =	simm.s32 $0xFFFFFFFF;
	p2 =	slt.u32 s8, $0xFFFFF086  }
0x1c: {  	p1 =	slt.u32 s9, $0xF7A;
	s5 =	simm.s32 @!p2 $0x0  }
0x1d: {  	s5 =	simm.s32 @p1 $0x1;
	p0 =	seq.s32 s7, s2  }
0x1e: {  	s7 =	smul.u32 @!p0 $0xF7A, s2;
	p2 =	seq.s32 @!p0 s5, $0x0  }
0x1f: {  	s9 =	smul.u32 $0xF7A, s1;
	s8 =	simm.s32 @!p0 $0x1BF5;
	p2 =	por !p2, p0  }
0x20: {  	[sflag:s8] =	ssyncset.s32 @!p0 $0xFFFFF086;
	s6 =	sadd.s32 @!p0 s3, s7;
	s7 =	simm.s32 @!p0 $0x108  }
0x21: {  	s3 =	sadd.s32 s3, s9;
	s6 =	sadd.s32 @!p0 $0x88, s6;
	s7 =	simm.s32 @p2 $0x1082  }
0x22: {  	[simem:s7], [sflag:s8] =	dma.local @!p0 [hbm:s6], $0xF7A  }
0x23: {  	s9 =	sor.u32 $0xD0000000, s2;
	s6 =	simm.s32 $0x108;
	_ =	swait.ge @!p0 [sflag:s8], $0x0  }
0x24: {  	s3 =	sadd.s32 $0x88, s3;
	s6 =	simm.s32 @!p1 $0x1082;
	[sflag:s4] =	ssyncset.s32 $0xFFFFF086  }
0x25: {  	[simem:s6], [sflag:s4] =	dma.local [hbm:s3], $0xF7A  }
0x26: {  	[smem:$0x3FA0] =	sst s1;
	(tag) =	ssettag s2;
	_ =	strace s9  }
0x27: {  	s1 =	sld [smem:$0x3FB0]  }
0x28: {  	s2 =	sld [smem:$0x3FB1]  }
0x29: {  	s4 =	sld [smem:$0x3FB3]  }
0x2a: {  	p0 =	seq.s32 s5, $0x0;
	s5 =	sld [smem:$0x3FB4]  }
0x2b: {  	s6 =	sld [smem:$0x3FB5]  }
0x2c: {  	s7 =	sld [smem:$0x3FB6]  }
0x2d: {  	s3 =	simm.s32 $0x108;
	s8 =	sld [smem:$0x3FB7]  }
0x2e: {  	s3 =	simm.s32 @!p0 $0x1082;
	s9 =	sld [smem:$0x3FB8]  }
0x2f: {  	lr =	sadd.s32 s0, s3;
	s0 =	sld [smem:$0x3FAF]  }
0x30: {  	s3 =	sld [smem:$0x3FB2]  }
0x31: {  	[smem:$0x3FBB] =	sst s10  }
0x32: {  	s10 =	sld [smem:$0x3FB9];
	_ =	sdelay $0x3  }
0x33: {  	p0 =	seq.s32 s10, $0x1;
	s10 =	sld [smem:$0x3FBB];
	_ =	sdelay $0x3  }
0x34: {  	[smem:$0x3FBB] =	sst s10  }
0x35: {  	s10 =	sld [smem:$0x3FBA];
	_ =	sdelay $0x3  }
0x36: {  	p1 =	seq.s32 s10, $0x1;
	s10 =	sld [smem:$0x3FBB];
	_ =	sdelay $0x3  }
0x37: {  	[smem:$0x3FBB] =	sst s10  }
0x38: {  	s10 =	sld [smem:$0x3FBC]  }
0x39: {  	_ = 	snop;
	(pc) =	sbr.ind lr, $3  }
0x3a: {  	_ = 	snop  }
0x3b: {  	_ = 	snop  }
0x3c: {  	p2 =	seq.s32 s10, $0x1;
	s10 =	sld [smem:$0x3FBB]  }
0x3d: {  	_ =	shalt  }
0x3e: {  	_ =	shalt  }
0x3f: {  	_ =	shalt  }
0x40: {  	_ =	shalt  }
0x41: {  	_ =	shalt  }
0x42: {  	_ =	shalt  }
0x43: {  	_ =	shalt  }
0x44: {  	_ =	shalt  }
0x45: {  	_ =	shalt  }
0x46: {  	_ =	shalt  }
0x47: {  	_ =	shalt  }
0x48: {  	_ =	shalt  }
0x49: {  	_ =	shalt  }
0x4a: {  	_ =	shalt  }
0x4b: {  	_ =	shalt  }
0x4c: {  	_ =	shalt  }
0x4d: {  	_ =	shalt  }
0x4e: {  	_ =	shalt  }
0x4f: {  	_ =	shalt  }
0x50: {  	_ =	shalt  }
0x51: {  	_ =	shalt  }
0x52: {  	_ =	shalt  }
0x53: {  	_ =	shalt  }
0x54: {  	_ =	shalt  }
0x55: {  	_ =	shalt  }
0x56: {  	_ =	shalt  }
0x57: {  	_ =	shalt  }
0x58: {  	_ =	shalt  }
0x59: {  	_ =	shalt  }
0x5a: {  	_ =	shalt  }
0x5b: {  	_ =	shalt  }
0x5c: {  	_ =	shalt  }
0x5d: {  	_ =	shalt  }
0x5e: {  	_ =	shalt  }
0x5f: {  	_ =	shalt  }
0x60: {  	_ =	shalt  }
0x61: {  	_ =	shalt  }
0x62: {  	_ =	shalt  }
0x63: {  	_ =	shalt  }
0x64: {  	_ =	shalt  }
0x65: {  	_ =	shalt  }
0x66: {  	_ =	shalt  }
0x67: {  	_ =	shalt  }
0x68: {  	_ =	shalt  }
0x69: {  	_ =	shalt  }
0x6a: {  	_ =	shalt  }
0x6b: {  	_ =	shalt  }
0x6c: {  	_ =	shalt  }
0x6d: {  	_ =	shalt  }
0x6e: {  	_ =	shalt  }
0x6f: {  	_ =	shalt  }
0x70: {  	_ =	shalt  }
0x71: {  	_ =	shalt  }
0x72: {  	_ =	shalt  }
0x73: {  	_ =	shalt  }
0x74: {  	_ =	shalt  }
0x75: {  	_ =	shalt  }
0x76: {  	_ =	shalt  }
0x77: {  	_ =	shalt  }
0x78: {  	_ =	shalt  }
0x79: {  	_ =	shalt  }
0x7a: {  	_ =	shalt  }
0x7b: {  	_ =	shalt  }
0x7c: {  	_ =	shalt  }
0x7d: {  	_ =	shalt  }
0x7e: {  	_ =	shalt  }
0x7f: {  	_ =	shalt  }
0x80: {  	_ =	shalt  }
0x81: {  	_ =	shalt  }
0x82: {  	_ =	shalt  }
0x83: {  	_ =	shalt  }
0x84: {  	_ =	shalt  }
0x85: {  	_ =	shalt  }
0x86: {  	_ =	shalt  }
0x87: {  	_ =	shalt  }
.Lfunc_end0:
.L_simem_size_0:
called_computation_lowered:
.L_overlay_start_0:
0x88: {  	s0 =	sld [smem:$0x3FD9]  }
0x89: {  	s1 =	sld [smem:$0x3FFE];
	_ =	sdelay $0x3  }
0x8a: {  	s0 =	sadd.s32 s1, s0  }
0x8b: {  	[smem:$0x3FC7] =	sst s0  }
0x8c: {  	_ = 	snop  }
0x8d: {  	s0 =	sld [smem:$0x3FC9];
	(tm) =	ssettm $0x1  }
0x8e: {  	s16 =	sld [smem:$0x3FFB];
	_ =	sdelay $0x3  }
0x8f: {  	_ =	strace s16  }
0x90: {  	s1 =	sld [smem:$0x3FFC];
	_ =	sdelay $0x3  }
0x91: {  	_ =	strace s1  }
0x92: {  	s1 =	sld [smem:$0x3FFD];
	_ =	sdelay $0x3  }
0x93: {  	_ =	strace s1  }
0x94: {  	_ =	strace $0x8FFFFFFF  }
0x95: {  	s17 =	sld [smem:$0x3FDB];
	_ =	sdelay $0x1  }
0x96: {  	s2 =	simm.s32 $_scs_section_size  }
0x97: {  	s3 =	simm.s32 $_size__tile_overlayer_lowered;
	s4 =	simm.s32 $_tile_overlayer_lowered  }
0x98: {  	s20 =	simm.s32 $0x1BFF;
	s19 =	sshll.u32 s4, $0x1;
	s1 =	sadd.s32 s2, s17  }
0x99: {  	s5 =	simm.s32 $0x0;
	s18 =	sshll.u32 s3, $0x1;
	s3 =	sadd.s32 s19, s1  }
0x9a: {  	[timem:s5], [sflag:s20] =	dma.local [hbm:s3], s18  }
0x9b: {  	_ =	swait.ge [sflag:s20], s18  }
0x9c: {  	s2 =	ssub.s32 $0x0, s18;
	[sflag:s20] =	ssyncset.done $0x0  }
0x9d: {  	[sflag:s20] =	ssyncadd.s32 s2;
	_ =	sdelay $0x1  }
0x9e: {  	s21 =	simm.s32 $0x1B8B  }
0x9f: {  	_ =	swait.ge [sflag:s21], $0x1  }
0xa0: {  	[sflag:s21] =	ssyncset.done $0x0  }
0xa1: {  	s23 =	simm.s32 $0x1B8E;
	s22 =	sld [smem:$0x3FFE];
	[sflag:s21] =	ssyncadd.s32 $0xFFFFFFFF  }
0xa2: {  	s24 =	simm.s32 $execute0_lowered;
	[smem:$0x3FD2] =	sst s23  }
0xa3: {  	s3 =	sshll.u32 s24, $0x1;
	_ =	strace $0x80000046;
	[dreg:$0x1] =	wrdreg $0xFFFFFFFF  }
0xa4: {  	s25 =	simm.s32 $_size_execute0_lowered;
	s1 =	sadd.s32 s1, s3;
	[dreg:$0x0] =	wrdreg $0x0  }
0xa5: {  	s3 =	sshll.u32 s25, $0x1;
	[dreg:$0x2] =	wrdreg s1  }
0xa6: {  	[dreg:$0x3] =	wrdreg s3  }
0xa7: {  	[dreg:$0x4] =	wrdreg $0xC0  }
0xa8: {  	_ =	task [dreg:s5], $0x5FFFF  }
0xa9: {  	[dreg:$0x1] =	wrdreg $0xFFFFFFFF  }
0xaa: {  	[dreg:$0x0] =	wrdreg $0x60  }
0xab: {  	[dreg:$0x2] =	wrdreg s0  }
0xac: {  	[dreg:$0x3] =	wrdreg s22  }
0xad: {  	[dreg:$0x4] =	wrdreg $0x4800  }
0xae: {  	[dreg:$0x5] =	wrdreg $0x9  }
0xaf: {  	_ =	task.clear_ibuf [dreg:s5], $0x6FFFF;
	_ =	strace $0x90000046  }
0xb0: {  	s26 =	simm.s32 $0x9;
	_ =	strace $0x80000048  }
0xb1: {  	_ =	swait.ge [sflag:s26], $0x1  }
0xb2: {  	[sflag:s26] =	ssyncadd.s32 $0xFFFFFFFF  }
0xb3: {  	_ =	strace $0x90000048  }
0xb4: {  	_ =	sfence  }
0xb5: {  	s28 =	sld [smem:$0x0];
	_ =	sdelay $0x1  }
0xb6: {  	s29 =	srdreg.scid  }
0xb7: {  	s30 =	sshll.u32 s29, $0xD;
	s31 =	sshrl.u32 s29, $0x2  }
0xb8: {  	s2 =	sand.u32 $0x4000, s30;
	s1 =	sand.u32 $0x1, s29;
	s0 =	sadd.s32 s31, s28  }
0xb9: {  	s1 =	sor.u32 s2, s1;
	s0 =	sshll.u32 s0, $0x11  }
0xba: {  	s0 =	sor.u32 s0, s1  }
0xbb: {  	s0 =	sadd.s32 $0x8F2B, s0  }
0xbc: {  	[sflag:s0] =	ssyncadd.remote.s32 $0x1  }
0xbd: {  	_ =	sfence.sel $0xFFFF  }
0xbe: {  	[dreg:$0x0] =	wrdreg $0xFFFFFFFF;
	(pc) =	sbr.abs _section_cstart, $3  }
0xbf: {  	[dreg:$0x1] =	wrdreg $0xFFFFFFFF  }
0xc0: {  	_ =	task.clear_ibuf [dreg:s5], $0x2FFFF;
	_ =	strace $0x9FFFFFFF  }
0xc1: {  	(tm) =	ssettm $0x7FFFFFFF  }
tec
execute0_lowered:
.L_overlay_start_1:
0x0: {  	(tag) =	ssettag $0x1  }
0x1: {  	v0 =	vimm.f32 $1.500000000e+01;
	vm0 =	vcmask $0x300  }
0x2: {  	vm1 =	vcmask $0x704;
	vm14 =	vcmask $0xB08;
	v1 =	vimm.f32 $3.100000000e+01  }
0x3: {  	vm13 =	vcmask $0xF0C;
	vm12 =	vcmask $0x1310;
	vm11 =	vcmask $0x1714  }
0x4: {  	vm10 =	vcmask $0x1B18;
	vm9 =	vcmask $0x1F1C;
	vm7 =	vcmask $0x2320  }
0x5: {  	vm8 =	vcmask $0x2724;
	vm6 =	vcmask $0x2B28;
	vm5 =	vcmask $0x2F2C  }
0x6: {  	vm4 =	vcmask $0x3330;
	vm3 =	vcmask $0x3734;
	vm2 =	vcmask $0x3B38  }
0x7: {  	v2 =	vimm.f32 $7.900000000e+01;
	v3 =	vimm.f32 $9.500000000e+01;
	v46 =	vimm.f32 $1.430000000e+02  }
0x8: {  	v21 =	vimm.f32 $1.590000000e+02;
	v23 =	vimm.f32 $1.750000000e+02;
	v51 =	vimm.f32 $1.910000000e+02  }
0x9: {  	v25 =	vimm.f32 $2.070000000e+02;
	v53 =	vimm.f32 $2.230000000e+02;
	v30 =	vimm.f32 $2.390000000e+02  }
0xa: {  	v31 =	vimm.f32 $2.550000000e+02;
	v0 =	vsel vm0, $0x0, v0;
	v1 =	vsel vm0, $0x41800000, v1  }
0xb: {  	v21 =	vsel vm0, $0x43100000, v21;
	v48 =	vsel vm0, $0x43200000, v23;
	v25 =	vsel vm0, $0x43400000, v25  }
0xc: {  	v30 =	vsel vm0, $0x43600000, v30;
	v31 =	vsel vm0, $0x43700000, v31;
	v0 =	vsel vm1, $0x3F800000, v0  }
0xd: {  	v1 =	vsel vm1, $0x41880000, v1;
	v21 =	vsel vm1, $0x43110000, v21;
	v50 =	vsel vm1, $0x43210000, v48  }
0xe: {  	v52 =	vsel vm1, $0x43410000, v25;
	v30 =	vsel vm1, $0x43610000, v30;
	v54 =	vsel vm1, $0x43710000, v31  }
0xf: {  	v0 =	vsel vm14, $0x40000000, v0;
	v1 =	vsel vm14, $0x41900000, v1;
	v21 =	vsel vm14, $0x43120000, v21  }
0x10: {  	v25 =	vsel vm14, $0x43420000, v52;
	v30 =	vsel vm14, $0x43620000, v30;
	v31 =	vsel vm14, $0x43720000, v54  }
0x11: {  	v0 =	vsel vm13, $0x40400000, v0;
	v1 =	vsel vm13, $0x41980000, v1;
	v21 =	vsel vm13, $0x43130000, v21  }
0x12: {  	v25 =	vsel vm13, $0x43430000, v25;
	v30 =	vsel vm13, $0x43630000, v30;
	v31 =	vsel vm13, $0x43730000, v31  }
0x13: {  	v0 =	vsel vm12, $0x40800000, v0;
	v1 =	vsel vm12, $0x41A00000, v1;
	v21 =	vsel vm12, $0x43140000, v21  }
0x14: {  	s4 =	rddreg [dreg:$0x0];
	v25 =	vsel vm12, $0x43440000, v25;
	v30 =	vsel vm12, $0x43640000, v30;
	v31 =	vsel vm12, $0x43740000, v31  }
0x15: {  	s3 =	rddreg [dreg:$0x1];
	v0 =	vsel vm11, $0x40A00000, v0;
	v1 =	vsel vm11, $0x41A80000, v1;
	v21 =	vsel vm11, $0x43150000, v21  }
0x16: {  	s1 =	rddreg [dreg:$0x2];
	v25 =	vsel vm11, $0x43450000, v25;
	v30 =	vsel vm11, $0x43650000, v30;
	v31 =	vsel vm11, $0x43750000, v31  }
0x17: {  	s0 =	rddreg [dreg:$0x3];
	v0 =	vsel vm10, $0x40C00000, v0;
	v1 =	vsel vm10, $0x41B00000, v1;
	v21 =	vsel vm10, $0x43160000, v21  }
0x18: {  	_ =	strace $0x80000047;
	s2 =	simm.s32 $0x0;
	s23 =	simm.s32 $0x1;
	v25 =	vsel vm10, $0x43460000, v25;
	v30 =	vsel vm10, $0x43660000, v30;
	v31 =	vsel vm10, $0x43760000, v31  }
0x19: {  	[tilespmem:s2], [sflag:$0x1] =	stream.linear.gather [hbm4b:s4+s2], $0x100, $0x38;
	v0 =	vsel vm9, $0x40E00000, v0;
	v1 =	vsel vm9, $0x41B80000, v1;
	v21 =	vsel vm9, $0x43170000, v21;
	[tilespmem:$0x720] =	vst v63  }
0x1a: {  	_ =	swait.ge [sflag:s23], $0x100;
	v25 =	vsel vm9, $0x43470000, v25;
	v30 =	vsel vm9, $0x43670000, v30;
	v38 =	vsel vm9, $0x43770000, v31  }
0x1b: {  	[sflag:s23] =	ssyncset.done $0x0;
	v0 =	vsel vm7, $0x41000000, v0;
	v1 =	vsel vm7, $0x41C00000, v1;
	v21 =	vsel vm7, $0x43180000, v21  }
0x1c: {  	[sflag:s23] =	ssyncadd.s32 $0xFFFFFF00;
	v25 =	vsel vm7, $0x43480000, v25;
	v30 =	vsel vm7, $0x43680000, v30;
	v38 =	vsel vm7, $0x43780000, v38  }
0x1d: {  	v5 =	vld [tilespmem:$0x0];
	v0 =	vsel vm8, $0x41100000, v0;
	v1 =	vsel vm8, $0x41C80000, v1;
	v49 =	vsel vm8, $0x43190000, v21  }
0x1e: {  	v21 =	vsel vm14, $0x43220000, v50;
	v36 =	vsel vm8, $0x43490000, v25;
	v30 =	vsel vm8, $0x43690000, v30  }
0x1f: {  	v38 =	vsel vm8, $0x43790000, v38;
	v0 =	vsel vm6, $0x41200000, v0;
	v1 =	vsel vm6, $0x41D00000, v1  }
0x20: {  	v21 =	vsel vm13, $0x43230000, v21;
	v34 =	vsel vm6, $0x431A0000, v49;
	v37 =	vsel vm6, $0x434A0000, v36  }
0x21: {  	v30 =	vsel vm6, $0x436A0000, v30;
	v38 =	vsel vm6, $0x437A0000, v38;
	v0 =	vsel vm5, $0x41300000, v0  }
0x22: {  	(xrf2) =	vadd.scan.msk.f32 $0xffff, v5;
	v1 =	vsel vm5, $0x41D80000, v1;
	v28 =	vsel vm12, $0x43240000, v21;
	v55 =	vsel vm5, $0x431B0000, v34  }
0x23: {  	v57 =	vsel vm5, $0x434B0000, v37;
	v30 =	vsel vm5, $0x436B0000, v30;
	v38 =	vsel vm5, $0x437B0000, v38  }
0x24: {  	v8 =	vld [tilespmem:$0x10];
	v0 =	vsel vm4, $0x41400000, v0;
	v1 =	vsel vm4, $0x41E00000, v1;
	v28 =	vsel vm11, $0x43250000, v28  }
0x25: {  	v37 =	vsel vm4, $0x434C0000, v57;
	v39 =	vsel vm4, $0x436C0000, v30;
	v0 =	vsel vm3, $0x41500000, v0  }
0x26: {  	v28 =	vsel vm10, $0x43260000, v28;
	v58 =	vsel vm3, $0x434D0000, v37;
	v0 =	vsel vm2, $0x41600000, v0  }
0x27: {  	v39 =	vsel vm3, $0x436D0000, v39;
	v9 =	vmul.f32 v0, v5;
	v0 =	vsel vm3, $0x41E80000, v1  }
0x28: {  	v28 =	vsel vm9, $0x43270000, v28;
	v1 =	vimm.f32 $4.700000000e+01;
	v0 =	vsel vm2, $0x41F00000, v0  }
0x29: {  	(xrf2) =	vadd.scan.msk.f32 $0xffff, v9;
	v10 =	vmul.f32 v0, v8;
	v0 =	vsel vm0, $0x42000000, v1;
	v1 =	vimm.f32 $6.300000000e+01  }
0x2a: {  	v39 =	vsel vm2, $0x436E0000, v39;
	(xrf2) =	vadd.scan.msk.f32 $0xffff, v8;
	v0 =	vsel vm1, $0x42040000, v0;
	v1 =	vsel vm0, $0x42400000, v1  }
0x2b: {  	v28 =	vsel vm7, $0x43280000, v28;
	v0 =	vsel vm14, $0x42080000, v0;
	v1 =	vsel vm1, $0x42440000, v1  }
0x2c: {  	v28 =	vsel vm8, $0x43290000, v28;
	(xrf2) =	vadd.scan.msk.f32 $0xffff, v10;
	v11, _, _ =	vpop (xrf2);
	v0 =	vsel vm13, $0x420C0000, v0;
	v1 =	vsel vm14, $0x42480000, v1  }
0x2d: {  	(v2sf) =	vpush v11, $0xF;
	v0 =	vsel vm12, $0x42100000, v0;
	v1 =	vsel vm13, $0x424C0000, v1  }
0x2e: {  	v28 =	vsel vm6, $0x432A0000, v28;
	v0 =	vsel vm11, $0x42140000, v0;
	v1 =	vsel vm12, $0x42500000, v1  }
0x2f: {  	v28 =	vsel vm5, $0x432B0000, v28;
	v0 =	vsel vm10, $0x42180000, v0;
	v1 =	vsel vm11, $0x42540000, v1  }
0x30: {  	v15 =	vld [tilespmem:$0x20];
	v28 =	vsel vm4, $0x432C0000, v28;
	v0 =	vsel vm9, $0x421C0000, v0;
	v1 =	vsel vm10, $0x42580000, v1  }
0x31: {  	v5 =	vsub.f32 v11, v5;
	v0 =	vsel vm7, $0x42200000, v0;
	v1 =	vsel vm9, $0x425C0000, v1  }
0x32: {  	v28 =	vsel vm3, $0x432D0000, v28;
	v0 =	vsel vm8, $0x42240000, v0;
	v1 =	vsel vm7, $0x42600000, v1  }
0x33: {  	v35 =	vsel vm2, $0x432E0000, v28;
	v12, _, _ =	vpop (xrf2);
	v0 =	vsel vm6, $0x42280000, v0;
	v1 =	vsel vm8, $0x42640000, v1  }
0x34: {  	(v2sf) =	vpush v12, $0xF;
	v13, _, _ =	vpop (xrf2);
	v0 =	vsel vm5, $0x422C0000, v0;
	v1 =	vsel vm6, $0x42680000, v1  }
0x35: {  	v17 =	vld [tilespmem:$0x30];
	(xrf2) =	vadd.scan.msk.f32 $0xffff, v15;
	v9 =	vsub.f32 v12, v9;
	(v2sf) =	vpush v13, $0xF;
	v0 =	vsel vm4, $0x42300000, v0  }
0x36: {  	v16, _, _ =	vpop (xrf2);
	v1 =	vsel vm5, $0x426C0000, v1;
	v8 =	vsub.f32 v13, v8;
	v0 =	vsel vm3, $0x42340000, v0  }
0x37: {  	(v2sf) =	vpush v16, $0xF;
	v1 =	vsel vm4, $0x42700000, v1;
	v0 =	vsel vm2, $0x42380000, v0  }
0x38: {  	v18 =	vmul.f32 v0, v15;
	v0 =	vsel vm3, $0x42740000, v1;
	v1 =	vsel vm0, $0x42800000, v2  }
0x39: {  	v42 =	vsub.f32 v16, v10;
	v0 =	vsel vm2, $0x42780000, v0;
	v1 =	vsel vm1, $0x42820000, v1  }
0x3a: {  	v13 =	vadd.f32 $0.0e+00, v9;
	v2 =	vmul.f32 v0, v17;
	v0 =	vsel vm14, $0x42840000, v1  }
0x3b: {  	v1 =	vsel vm0, $0x42A00000, v3;
	v3 =	vimm.f32 $1.110000000e+02;
	v0 =	vsel vm13, $0x42860000, v0  }
0x3c: {  	v1 =	vsel vm1, $0x42A20000, v1;
	v3 =	vsel vm0, $0x42C00000, v3;
	s24 =	spop (v2sf);
	v0 =	vsel vm12, $0x42880000, v0  }
0x3d: {  	v1 =	vsel vm14, $0x42A40000, v1;
	v3 =	vsel vm1, $0x42C20000, v3;
	s4 =	sadd.f32 $0.0e+00, s24;
	v0 =	vsel vm11, $0x428A0000, v0  }
0x3e: {  	v1 =	vsel vm13, $0x42A60000, v1;
	v3 =	vsel vm14, $0x42C40000, v3;
	v0 =	vsel vm10, $0x428C0000, v0  }
0x3f: {  	v10, _, _ =	vpop (xrf2);
	v1 =	vsel vm12, $0x42A80000, v1;
	v3 =	vsel vm13, $0x42C60000, v3;
	v9 =	vadd.f32 s4, v8  }
0x40: {  	v11 =	vsub.f32 v10, v15;
	(v2sf) =	vpush v10, $0xF;
	v10 =	vimm.f32 $1.270000000e+02  }
0x41: {  	(xrf2) =	vadd.scan.msk.f32 $0xffff, v18;
	v15 =	vsel vm0, $0x43000000, v46;
	v0 =	vsel vm9, $0x428E0000, v0;
	v1 =	vsel vm11, $0x42AA0000, v1  }
0x42: {  	v3 =	vsel vm12, $0x42C80000, v3;
	v10 =	vsel vm0, $0x42E00000, v10;
	v15 =	vsel vm1, $0x43010000, v15  }
0x43: {  	v0 =	vsel vm7, $0x42900000, v0;
	v1 =	vsel vm10, $0x42AC0000, v1;
	v3 =	vsel vm11, $0x42CA0000, v3  }
0x44: {  	(xrf2) =	vadd.scan.msk.f32 $0xffff, v17;
	v10 =	vsel vm1, $0x42E20000, v10;
	v15 =	vsel vm14, $0x43020000, v15;
	v0 =	vsel vm8, $0x42920000, v0  }
0x45: {  	v1 =	vsel vm9, $0x42AE0000, v1;
	v3 =	vsel vm10, $0x42CC0000, v3;
	v10 =	vsel vm14, $0x42E40000, v10  }
0x46: {  	v15 =	vsel vm13, $0x43030000, v15;
	v0 =	vsel vm6, $0x42940000, v0;
	v1 =	vsel vm7, $0x42B00000, v1  }
0x47: {  	v4 =	vsel vm9, $0x42CE0000, v3;
	v10 =	vsel vm13, $0x42E60000, v10;
	v15 =	vsel vm12, $0x43040000, v15  }
0x48: {  	v0 =	vsel vm5, $0x42960000, v0;
	v1 =	vsel vm8, $0x42B20000, v1;
	v4 =	vsel vm7, $0x42D00000, v4  }
0x49: {  	v10 =	vsel vm12, $0x42E80000, v10;
	v15 =	vsel vm11, $0x43050000, v15;
	v0 =	vsel vm4, $0x42980000, v0  }
0x4a: {  	v1 =	vsel vm6, $0x42B40000, v1;
	v4 =	vsel vm8, $0x42D20000, v4;
	v10 =	vsel vm11, $0x42EA0000, v10  }
0x4b: {  	v6 =	vld [tilespmem:$0x40];
	v43, _, _ =	vpop (xrf2);
	v15 =	vsel vm10, $0x43060000, v15;
	v0 =	vsel vm3, $0x429A0000, v0;
	v1 =	vsel vm5, $0x42B60000, v1  }
0x4c: {  	s5 =	spop (v2sf);
	v4 =	vsel vm6, $0x42D40000, v4;
	v44 =	vsub.f32 v43, v18;
	(v2sf) =	vpush v43, $0xF  }
0x4d: {  	v3 =	vld [tilespmem:$0x50];
	s6 =	sadd.f32 $0.0e+00, s5;
	v47 =	vsel vm10, $0x42EC0000, v10;
	v15 =	vsel vm9, $0x43070000, v15;
	v7 =	vsel vm2, $0x429C0000, v0  }
0x4e: {  	v45, _, _ =	vpop (xrf2);
	v1 =	vsel vm4, $0x42B80000, v1;
	v4 =	vsel vm5, $0x42D60000, v4;
	v15 =	vsel vm7, $0x43080000, v15  }
0x4f: {  	v8 =	vadd.f32 s6, v42;
	(v2sf) =	vpush v45, $0xF;
	v15 =	vsel vm8, $0x43090000, v15  }
0x50: {  	(xrf2) =	vadd.scan.msk.f32 $0xffff, v2;
	v0 =	vld [tilespmem:$0x60];
	v7 =	vmul.f32 v7, v6;
	v1 =	vsel vm3, $0x42BA0000, v1;
	v22 =	vsel vm6, $0x430A0000, v15  }
0x51: {  	(xrf2) =	vadd.scan.msk.f32 $0xffff, v6;
	v18 =	vsel vm9, $0x42EE0000, v47;
	v1 =	vsel vm2, $0x42BC0000, v1;
	v22 =	vsel vm5, $0x430B0000, v22  }
0x52: {  	v14 =	vsel vm4, $0x42D80000, v4;
	(xrf2) =	vadd.scan.msk.f32 $0xffff, v7;
	v4 =	vmul.f32 v1, v3;
	v22 =	vsel vm4, $0x430C0000, v22  }
0x53: {  	v33 =	vsub.f32 v45, v17;
	v18 =	vsel vm7, $0x42F00000, v18;
	(xrf2) =	vadd.scan.msk.f32 $0xffff, v3;
	v22 =	vsel vm3, $0x430D0000, v22  }
0x54: {  	v18 =	vsel vm8, $0x42F20000, v18;
	(xrf2) =	vadd.scan.msk.f32 $0xffff, v4;
	v24 =	vsel vm2, $0x430E0000, v22;
	v22 =	vsel vm0, $0x43300000, v51  }
0x55: {  	v1 =	vsel vm3, $0x42DA0000, v14;
	v14 =	vadd.f32 $0.0e+00, v5;
	(xrf2) =	vadd.scan.msk.f32 $0xffff, v0;
	v22 =	vsel vm1, $0x43310000, v22  }
0x56: {  	v21 =	vld [tilespmem:$0x80];
	v18 =	vsel vm6, $0x42F40000, v18;
	v1 =	vsel vm2, $0x42DC0000, v1;
	v29 =	vsel vm14, $0x43320000, v22  }
0x57: {  	v5 =	vld [tilespmem:$0x70];
	v18 =	vsel vm5, $0x42F60000, v18;
	v1 =	vmul.f32 v1, v0;
	v29 =	vsel vm13, $0x43330000, v29  }
0x58: {  	v42 =	vsel vm4, $0x437C0000, v38;
	v18 =	vsel vm4, $0x42F80000, v18;
	v29 =	vsel vm12, $0x43340000, v29  }
0x59: {  	v18 =	vsel vm3, $0x42FA0000, v18;
	(xrf2) =	vadd.scan.msk.f32 $0xffff, v1;
	v22 =	vsel vm0, $0x43500000, v53;
	v29 =	vsel vm11, $0x43350000, v29  }
0x5a: {  	v27, _, _ =	vpop (xrf2);
	v18 =	vsel vm2, $0x42FC0000, v18;
	v22 =	vsel vm1, $0x43510000, v22;
	v29 =	vsel vm10, $0x43360000, v29  }
0x5b: {  	v26, _, _ =	vpop (xrf2);
	v23 =	vmul.f32 v24, v21;
	v32 =	vsel vm14, $0x43520000, v22;
	v22 =	vld [tilespmem:$0x90];
	v29 =	vsel vm9, $0x43370000, v29  }
0x5c: {  	v15 =	vmul.f32 v18, v5;
	v32 =	vsel vm13, $0x43530000, v32;
	v20, _, _ =	vpop (xrf2);
	v29 =	vsel vm7, $0x43380000, v29  }
0x5d: {  	v24 =	vsel vm4, $0x431C0000, v55;
	v32 =	vsel vm12, $0x43540000, v32;
	v19, _, _ =	vpop (xrf2);
	(xrf2) =	vadd.scan.msk.f32 $0xffff, v5;
	v56 =	vsel vm8, $0x43390000, v29;
	v29 =	vld [tilespmem:$0xA0]  }
0x5e: {  	(v2sf) =	vpush v27, $0xF;
	v24 =	vsel vm3, $0x431D0000, v24;
	v32 =	vsel vm11, $0x43550000, v32;
	v17, _, _ =	vpop (xrf2);
	(xrf2) =	vadd.scan.msk.f32 $0xffff, v15  }
0x5f: {  	v28 =	vld [tilespmem:$0xB0];
	v24 =	vsel vm2, $0x431E0000, v24;
	v32 =	vsel vm10, $0x43560000, v32;
	v16, _, _ =	vpop (xrf2);
	v34 =	vsel vm6, $0x433A0000, v56;
	(xrf2) =	vadd.scan.msk.f32 $0xffff, v21  }
0x60: {  	v24 =	vmul.f32 v24, v22;
	v32 =	vsel vm9, $0x43570000, v32;
	v34 =	vsel vm5, $0x433B0000, v34;
	(xrf2) =	vadd.scan.msk.f32 $0xffff, v23  }
0x61: {  	v25 =	vld [tilespmem:$0xC0];
	(v2sf) =	vpush v26, $0xF;
	v32 =	vsel vm7, $0x43580000, v32;
	v34 =	vsel vm4, $0x433C0000, v34;
	(xrf2) =	vadd.scan.msk.f32 $0xffff, v22  }
0x62: {  	v59 =	vsel vm8, $0x43590000, v32;
	v34 =	vsel vm3, $0x433D0000, v34;
	(xrf2) =	vadd.scan.msk.f32 $0xffff, v24;
	v36 =	vmul.f32 v35, v29  }
0x63: {  	(v2sf) =	vpush v20, $0xF;
	v10, _, _ =	vpop (xrf2);
	v32 =	vld [tilespmem:$0xD0];
	v37 =	vsel vm6, $0x435A0000, v59;
	v34 =	vsel vm2, $0x433E0000, v34;
	(xrf2) =	vadd.scan.msk.f32 $0xffff, v29  }
0x64: {  	v31 =	vld [tilespmem:$0xE0];
	s25 =	spop (v2sf);
	(v2sf) =	vpush v19, $0xF;
	v37 =	vsel vm5, $0x435B0000, v37;
	v35 =	vmul.f32 v34, v28;
	(xrf2) =	vadd.scan.msk.f32 $0xffff, v36  }
0x65: {  	s5 =	sadd.f32 s25, s4;
	(v2sf) =	vpush v17, $0xF;
	v37 =	vsel vm4, $0x435C0000, v37;
	v34 =	vsel vm2, $0x434E0000, v58;
	(xrf2) =	vadd.scan.msk.f32 $0xffff, v28  }
0x66: {  	s26 =	spop (v2sf);
	(v2sf) =	vpush v16, $0xF;
	v37 =	vsel vm3, $0x435D0000, v37;
	v34 =	vmul.f32 v34, v25;
	(xrf2) =	vadd.scan.msk.f32 $0xffff, v35  }
0x67: {  	v30 =	vld [tilespmem:$0xF0];
	s4 =	sadd.f32 s26, s6;
	v12 =	vadd.f32 s5, v11;
	(v2sf) =	vpush v10, $0xF;
	v37 =	vsel vm2, $0x435E0000, v37;
	v18, _, _ =	vpop (xrf2);
	(xrf2) =	vadd.scan.msk.f32 $0xffff, v25  }
0x68: {  	v27 =	vsub.f32 v27, v2;
	s28 =	spop (v2sf);
	v37 =	vmul.f32 v37, v32;
	(v2sf) =	vpush v18, $0xF;
	v40, _, _ =	vpop (xrf2);
	(xrf2) =	vadd.scan.msk.f32 $0xffff, v34  }
0x69: {  	v38 =	vmul.f32 v39, v31;
	v11 =	vadd.f32 s4, v44;
	s5 =	sadd.f32 s28, s5;
	(v2sf) =	vpush v40, $0xF;
	v41, _, _ =	vpop (xrf2);
	(xrf2) =	vadd.scan.msk.f32 $0xffff, v32  }
0x6a: {  	v60 =	vsel vm3, $0x437D0000, v42;
	v6 =	vsub.f32 v26, v6;
	v43, _, _ =	vpop (xrf2);
	(v2sf) =	vpush v41, $0xF;
	(xrf2) =	vadd.scan.msk.f32 $0xffff, v37  }
0x6b: {  	v39 =	vsel vm2, $0x437E0000, v60;
	v33 =	vadd.f32 s5, v33;
	s29 =	spop (v2sf);
	(v2sf) =	vpush v43, $0xF;
	v61, _, _ =	vpop (xrf2);
	(xrf2) =	vadd.scan.msk.f32 $0xffff, v31  }
0x6c: {  	v2 =	vmul.f32 v39, v30;
	v7 =	vsub.f32 v20, v7;
	v44, _, _ =	vpop (xrf2);
	(v2sf) =	vpush v61, $0xF;
	(xrf2) =	vadd.scan.msk.f32 $0xffff, v38  }
0x6d: {  	s4 =	sadd.f32 s29, s4;
	v3 =	vsub.f32 v19, v3;
	(v2sf) =	vpush v44, $0xF;
	v62, _, _ =	vpop (xrf2);
	(xrf2) =	vadd.scan.msk.f32 $0xffff, v30  }
0x6e: {  	[tilespmem:$0x200] =	vst v13;
	s30 =	spop (v2sf);
	v4 =	vsub.f32 v17, v4;
	(v2sf) =	vpush v62, $0xF;
	v63, _, _ =	vpop (xrf2);
	(xrf2) =	vadd.scan.msk.f32 $0xffff, v2  }
0x6f: {  	[tilespmem:$0x110] =	vst v9;
	s5 =	sadd.f32 s30, s5;
	s31 =	spop (v2sf);
	v27 =	vadd.f32 s4, v27;
	v45, _, _ =	vpop (xrf2);
	(v2sf) =	vpush v63, $0xF  }
0x70: {  	[tilespmem:$0x100] =	vst v14;
	s4 =	sadd.f32 s31, s4;
	s7 =	spop (v2sf);
	v0 =	vsub.f32 v16, v0;
	v14, _, _ =	vpop (xrf2);
	(v2sf) =	vpush v45, $0xF  }
0x71: {  	[tilespmem:$0x210] =	vst v8;
	v6 =	vadd.f32 s5, v6;
	s5 =	sadd.f32 s7, s5;
	v13, _, _ =	vpop (xrf2);
	(v2sf) =	vpush v14, $0xF  }
0x72: {  	[tilespmem:$0x120] =	vst v12;
	v7 =	vadd.f32 s4, v7;
	s8 =	spop (v2sf);
	v9, _, _ =	vpop (xrf2);
	(v2sf) =	vpush v13, $0xF  }
0x73: {  	[tilespmem:$0x220] =	vst v11;
	v3 =	vadd.f32 s5, v3;
	s4 =	sadd.f32 s8, s4;
	s9 =	spop (v2sf);
	v8, _, _ =	vpop (xrf2);
	(v2sf) =	vpush v9, $0xF  }
0x74: {  	[tilespmem:$0x130] =	vst v33;
	v1 =	vsub.f32 v10, v1;
	s5 =	sadd.f32 s9, s5;
	s10 =	spop (v2sf);
	v12, _, _ =	vpop (xrf2);
	(v2sf) =	vpush v8, $0xF  }
0x75: {  	[tilespmem:$0x150] =	vst v3;
	v3 =	vsub.f32 v18, v5;
	s6 =	sadd.f32 s10, s4;
	s7 =	spop (v2sf);
	v11, _, _ =	vpop (xrf2);
	(v2sf) =	vpush v12, $0xF  }
0x76: {  	v47 =	vld [tilespmem:$0x200];
	[tilespmem:$0x230] =	vst v27;
	v52 =	vsub.f32 v40, v15;
	s11 =	sadd.f32 s7, s5;
	s12 =	spop (v2sf);
	v46, _, _ =	vpop (xrf2);
	(v2sf) =	vpush v11, $0xF  }
0x77: {  	v54 =	vld [tilespmem:$0x120];
	[tilespmem:$0x140] =	vst v6;
	v4 =	vadd.f32 s4, v4;
	s13 =	sadd.f32 s12, s6;
	s14 =	spop (v2sf);
	v48, _, _ =	vpop (xrf2);
	(v2sf) =	vpush v46, $0xF  }
0x78: {  	v49 =	vld [tilespmem:$0x100];
	[tilespmem:$0x240] =	vst v7;
	v0 =	vadd.f32 s5, v0;
	s7 =	sadd.f32 s14, s11;
	s8 =	spop (v2sf);
	v50, _, _ =	vpop (xrf2);
	(v2sf) =	vpush v48, $0xF  }
0x79: {  	v51 =	vld [tilespmem:$0x110];
	[tilespmem:$0x250] =	vst v4;
	v1 =	vadd.f32 s6, v1;
	s8 =	sadd.f32 s8, s13;
	s9 =	spop (v2sf);
	(v2sf) =	vpush v50, $0xF  }
0x7a: {  	v53 =	vld [tilespmem:$0x220];
	[tilespmem:$0x160] =	vst v0;
	v0 =	vadd.f32 s11, v3;
	v3 =	vsub.f32 v41, v21;
	s15 =	spop (v2sf);
	s9 =	sadd.f32 s9, s7  }
0x7b: {  	v57 =	vld [tilespmem:$0x130];
	v55 =	vsub.f32 v43, v23;
	[tilespmem:$0x260] =	vst v1;
	v1 =	vadd.f32 s13, v52;
	s16 =	spop (v2sf);
	s6 =	sadd.f32 s15, s8  }
0x7c: {  	v10 =	vld [tilespmem:$0x210];
	[tilespmem:$0x170] =	vst v0;
	v0 =	vadd.f32 s7, v3;
	v3 =	vsub.f32 v61, v22;
	s17 =	spop (v2sf);
	s4 =	sadd.f32 s16, s9  }
0x7d: {  	v56 =	vld [tilespmem:$0x230];
	v58 =	vsub.f32 v44, v24;
	[tilespmem:$0x270] =	vst v1;
	v1 =	vadd.f32 s8, v55;
	s18 =	spop (v2sf);
	s5 =	sadd.f32 s17, s6  }
0x7e: {  	v60 =	vld [tilespmem:$0x140];
	[tilespmem:$0x180] =	vst v0;
	v0 =	vadd.f32 s9, v3;
	v3 =	vsub.f32 v62, v29;
	s7 =	sadd.f32 s18, s4;
	s19 =	spop (v2sf)  }
0x7f: {  	v59 =	vld [tilespmem:$0x240];
	v61 =	vsub.f32 v63, v36;
	[tilespmem:$0x280] =	vst v1;
	v1 =	vadd.f32 s6, v58;
	s20 =	spop (v2sf);
	s8 =	sadd.f32 s19, s5  }
0x80: {  	v33 =	vld [tilespmem:$0x160];
	[tilespmem:$0x190] =	vst v0;
	v0 =	vadd.f32 s4, v3;
	v3 =	vsub.f32 v45, v28;
	s21 =	spop (v2sf);
	s9 =	sadd.f32 s20, s7  }
0x81: {  	v63 =	vld [tilespmem:$0x150];
	v28 =	vsub.f32 v14, v35;
	[tilespmem:$0x290] =	vst v1;
	v1 =	vadd.f32 s5, v61;
	s22 =	spop (v2sf);
	s6 =	sadd.f32 s21, s8  }
0x82: {  	v62 =	vld [tilespmem:$0x250];
	[tilespmem:$0x1A0] =	vst v0;
	v0 =	vadd.f32 s7, v3;
	v3 =	vsub.f32 v13, v25;
	s23 =	spop (v2sf);
	s4 =	sadd.f32 s22, s9  }
0x83: {  	v29 =	vld [tilespmem:$0x260];
	v35 =	vsub.f32 v9, v34;
	[tilespmem:$0x2A0] =	vst v1;
	v1 =	vadd.f32 s8, v28;
	s24 =	spop (v2sf);
	s5 =	sadd.f32 s23, s6  }
0x84: {  	v9 =	vld [tilespmem:$0x270];
	[tilespmem:$0x1B0] =	vst v0;
	v0 =	vadd.f32 s9, v3;
	v3 =	vsub.f32 v8, v32;
	s25 =	spop (v2sf);
	s7 =	sadd.f32 s24, s4  }
0x85: {  	v36 =	vsub.f32 v12, v37;
	v37 =	vld [tilespmem:$0x280];
	[tilespmem:$0x2B0] =	vst v1;
	v1 =	vadd.f32 s6, v35;
	s26 =	spop (v2sf);
	s8 =	sadd.f32 s25, s5  }
0x86: {  	v41 =	vld [tilespmem:$0x190];
	[tilespmem:$0x1C0] =	vst v0;
	v0 =	vadd.f32 s4, v3;
	v3 =	vsub.f32 v11, v31;
	s28 =	spop (v2sf);
	s9 =	sadd.f32 s26, s7  }
0x87: {  	v39 =	vsub.f32 v46, v38;
	v40 =	vld [tilespmem:$0x290];
	[tilespmem:$0x2C0] =	vst v1;
	v1 =	vadd.f32 s5, v36;
	s29 =	spop (v2sf);
	s6 =	sadd.f32 s28, s8  }
0x88: {  	v43 =	vld [tilespmem:$0x1A0];
	v3 =	vadd.f32 s7, v3;
	[tilespmem:$0x1D0] =	vst v0;
	v0 =	vsub.f32 v48, v30;
	s4 =	sadd.f32 s29, s9;
	s30 =	spop (v2sf)  }
0x89: {  	v2 =	vsub.f32 v50, v2;
	v42 =	vld [tilespmem:$0x2A0];
	[tilespmem:$0x2D0] =	vst v1;
	v1 =	vadd.f32 s8, v39;
	s5 =	sadd.f32 s30, s6  }
0x8a: {  	v8 =	vld [tilespmem:$0x170];
	[tilespmem:$0x1E0] =	vst v3;
	v0 =	vadd.f32 s9, v0;
	v3 =	vmul.f32 s4, v47  }
0x8b: {  	v45 =	vld [tilespmem:$0x1B0];
	[tilespmem:$0x2E0] =	vst v1;
	v1 =	vadd.f32 s6, v2;
	v2 =	vmul.f32 s4, v10;
	v6 =	vmul.f32 s5, v49  }
0x8c: {  	v11 =	vld [tilespmem:$0x180];
	v5 =	vmul.f32 s5, v51;
	v44 =	vmul.f32 s5, v54  }
0x8d: {  	v10 =	vld [tilespmem:$0x2B0];
	[tilespmem:$0x1F0] =	vst v0;
	v46 =	vmul.f32 s5, v57;
	v0 =	vsub.f32 v3, v6;
	v3 =	vmul.f32 s4, v53  }
0x8e: {  	v47 =	vld [tilespmem:$0x2C0];
	[tilespmem:$0x2F0] =	vst v1;
	v48 =	vmul.f32 s5, v60;
	v1 =	vsub.f32 v2, v5;
	v2 =	vmul.f32 s4, v56  }
0x8f: {  	v49 =	vld [tilespmem:$0x1C0];
	v50 =	vmul.f32 s5, v63;
	[tilespmem:$0x300] =	vst v0;
	v0 =	vsub.f32 v3, v44;
	v3 =	vmul.f32 s4, v59  }
0x90: {  	v51 =	vld [tilespmem:$0x2D0];
	v52 =	vmul.f32 s5, v33;
	[tilespmem:$0x310] =	vst v1;
	v1 =	vsub.f32 v2, v46;
	v2 =	vmul.f32 s4, v62  }
0x91: {  	v54 =	vmul.f32 s5, v8;
	v8 =	vld [tilespmem:$0x2E0];
	[tilespmem:$0x320] =	vst v0;
	v0 =	vsub.f32 v3, v48;
	v3 =	vmul.f32 s4, v29  }
0x92: {  	v58 =	vld [tilespmem:$0x1F0];
	[tilespmem:$0x330] =	vst v1;
	v1 =	vsub.f32 v2, v50;
	v2 =	vmul.f32 s4, v9  }
0x93: {  	v55 =	vmul.f32 s5, v11;
	v53 =	vld [tilespmem:$0x1D0];
	[tilespmem:$0x340] =	vst v0;
	v0 =	vsub.f32 v3, v52;
	v3 =	vmul.f32 s4, v37  }
0x94: {  	v56 =	vmul.f32 s5, v41;
	v9 =	vld [tilespmem:$0x1E0];
	[tilespmem:$0x350] =	vst v1;
	v1 =	vsub.f32 v2, v54;
	v2 =	vmul.f32 s4, v40  }
0x95: {  	v57 =	vmul.f32 s5, v43;
	v11 =	vld [tilespmem:$0x2F0];
	[tilespmem:$0x360] =	vst v0;
	v0 =	vsub.f32 v3, v55;
	v3 =	vmul.f32 s4, v42  }
0x96: {  	v59 =	vmul.f32 s5, v45;
	[tilespmem:$0x370] =	vst v1;
	v1 =	vsub.f32 v2, v56;
	v2 =	vmul.f32 s4, v10  }
0x97: {  	v60 =	vmul.f32 s5, v49;
	[tilespmem:$0x380] =	vst v0;
	v0 =	vsub.f32 v3, v57;
	v3 =	vmul.f32 s4, v47  }
0x98: {  	v61 =	vmul.f32 s5, v53;
	[tilespmem:$0x390] =	vst v1;
	v1 =	vsub.f32 v2, v59;
	v2 =	vmul.f32 s4, v51  }
0x99: {  	v62 =	vmul.f32 s5, v9;
	[tilespmem:$0x3A0] =	vst v0;
	v0 =	vsub.f32 v3, v60;
	v3 =	vmul.f32 s4, v8  }
.Ltmp0:
0x9a: {  	v63 =	vmul.f32 s5, v58;
	[tilespmem:$0x3B0] =	vst v1;
	v1 =	vsub.f32 v2, v61;
	v2 =	vmul.f32 s4, v11;
	(pc) =	sbr.rel .LBB2_1-.Ltmp0, $4  }
0x9b: {  	[tilespmem:$0x3C0] =	vst v0;
	v3 =	vsub.f32 v3, v62  }
0x9c: {  	s6 =	stileid.u32;
	[tilespmem:$0x3D0] =	vst v1;
	v1 =	vsub.f32 v2, v63  }
0x9d: {  	s31 =	sadd.s32 $0x2, s6;
	v10 =	vimm.s32 $0x40000000;
	[tilespmem:$0x3E0] =	vst v3  }
0x9e: {  	s3 =	sadd.s32 $0x600, s3;
	s7 =	sadd.s32 $0x1, s6;
	s8 =	sshrl.u32 s31, $0x4;
	v11 =	vimm.f32 $-2.000000000e+00;
	v0 =	vmov s4;
	[tilespmem:$0x3F0] =	vst v1;
	v1 =	vlaneseq.u32  }
.LBB2_6:
0x9f: {  	s2 =	sadd.s32 $0x1, s2  }
0xa0: {  	p0 =	sne.s32 s2, $0x10  }
.Ltmp1:
0xa1: {  	_ = 	snop;
	(pc) =	sbr.rel @!p0 .LBB2_7-.Ltmp1, $4  }
0xa2: {  	vm0 =	veq.f32 v6, v11;
	vm1 =	vlt.s32 v7, v10  }
0xa3: {  	vm2 =	vgt.f32 v6, v11;
	vm0 =	vmand vm0, vm1  }
0xa4: {  	vm0 =	vmor vm2, vm0  }
0xa5: {  	s8 =	sadd.s32 $0x1, s8;
	v11 =	vsel vm0, v6, v11;
	v10 =	vsel vm0, v7, v10  }
.LBB2_1:
0xa6: {  	s9 =	sshll.u32 s2, $0x4  }
0xa7: {  	s9 =	sadd.s32 s9, s7  }
0xa8: {  	s10 =	smin.u32 s9, $0xFF  }
0xa9: {  	s11 =	sand.u32 $0xF0, s10  }
0xaa: {  	v2 =	vld [tilespmem:s11+$0x100]  }
0xab: {  	v3 =	vld [tilespmem:s11+$0x200]  }
0xac: {  	s10 =	sand.u32 $0xF, s10  }
0xad: {  	v4 =	vmov s10  }
0xae: {  	vm2 =	veq.s32 v4, v1  }
0xaf: {  	v2 =	vnsel vm2, $0x0, v2  }
0xb0: {  	(xrf2) =	vadd.scan.msk.f32 $0xffff, v2;
	v2 =	vnsel vm2, $0x0, v3  }
0xb1: {  	(xrf2) =	vadd.scan.msk.f32 $0xffff, v2;
	_ =	sdelay $0x8  }
0xb2: {  	v2, _, _ =	vpop (xrf2)  }
0xb3: {  	(v2sf) =	vpush v2, $0xF;
	v3, _, _ =	vpop (xrf2)  }
0xb4: {  	(v2sf) =	vpush v3, $0xF;
	_ =	sdelay $0xc  }
0xb5: {  	s12 =	sadd.s32 $0x1, s9  }
0xb6: {  	s12 =	sshrl.u32 s12, $0x4;
	s26 =	spop (v2sf)  }
0xb7: {  	s16 =	sand.u32 $0x3E, s12;
	s28 =	spop (v2sf);
	s10 =	smul.f32 s26, s5  }
0xb8: {  	p0 =	sgt.u32 s16, $0x8;
	s11 =	smul.f32 s28, s4  }
.Ltmp2:
0xb9: {  	_ = 	snop;
	(pc) =	sbr.rel @p0 .LBB2_2-.Ltmp2, $4  }
0xba: {  	_ = 	snop  }
0xbb: {  	s29 =	ssub.s32 $0x10, s16;
	s13 =	ssub.f32 s11, s10  }
0xbc: {  	s30 =	sshrl.u32 s8, $0x1;
	v5 =	vmov s9;
	s31 =	sand.u32 $0xFFFFFFF8, s29  }
0xbd: {  	s12 =	sadd.s32 s16, s31;
	v2 =	vbroadcast v2, $0xF;
	v3 =	vbroadcast v3, $0xF;
	s10 =	sshll.u32 s30, $0x5;
	s11 =	sshll.u32 s30, $0x7;
	v4 =	vmov s13  }
0xbe: {  	s15 =	sshrl.u32 s11, $0x2  }
0xbf: {  	s17 =	sadd.s32 $0x240, s15  }
0xc0: {  	v19 =	vld [tilespmem:s17+$0x20]  }
0xc1: {  	s13 =	sadd.s32 $0x70, s10;
	s18 =	sshll.u32 s9, $0x8;
	v13 =	vimm.f32 $-2.000000000e+00;
	v20 =	vld [tilespmem:s17+$0x30]  }
0xc2: {  	v12 =	vimm.s32 $0x40000000;
	s14 =	sadd.s32 $0x140, s15;
	v6 =	vmov s18;
	s29 =	sadd.s32 $0xFFFFFFF0, s13;
	v7 =	vor.u32 s13, v1;
	v21 =	vld [tilespmem:s17+$0x0]  }
0xc3: {  	s19 =	sadd.s32 $0xFFFFFFB0, s13;
	s20 =	sadd.s32 $0xFFFFFFD0, s13;
	s21 =	sadd.s32 $0xFFFFFFE0, s13;
	v22 =	vld [tilespmem:s17+$0x10];
	v17 =	vor.u32 s29, v1;
	vm2 =	vgt.s32 v7, v5;
	v7 =	vadd.s32 v6, v7  }
0xc4: {  	s30 =	sadd.s32 $0xFFFFFF90, s13;
	s22 =	sadd.s32 $0xFFFFFFA0, s13;
	s31 =	sadd.s32 $0xFFFFFFC0, s13;
	v23 =	vor.u32 s19, v1;
	v24 =	vor.u32 s20, v1;
	v25 =	vor.u32 s21, v1;
	v26 =	vld [tilespmem:s14+$0x20]  }
0xc5: {  	v27 =	vor.u32 s30, v1;
	v28 =	vor.u32 s22, v1;
	v29 =	vor.u32 s31, v1;
	v30 =	vld [tilespmem:s14+$0x30]  }
0xc6: {  	v31 =	vld [tilespmem:s17+$0xFFFFFFE0];
	v9 =	vadd.s32 v6, v24;
	v14 =	vadd.s32 v6, v25;
	v8 =	vadd.s32 v6, v17  }
0xc7: {  	v32 =	vld [tilespmem:s14+$0x0];
	v15 =	vadd.s32 v6, v23;
	v16 =	vadd.s32 v6, v29;
	vm5 =	vgt.s32 v17, v5  }
0xc8: {  	v58 =	vld [tilespmem:s14+$0x10];
	v17 =	vadd.s32 v6, v27;
	v18 =	vadd.s32 v6, v28;
	vm6 =	vgt.s32 v24, v5  }
0xc9: {  	v59 =	vld [tilespmem:s14+$0xFFFFFFE0];
	vm4 =	vgt.s32 v23, v5;
	vm3 =	vgt.s32 v29, v5;
	vm9 =	vgt.s32 v25, v5  }
0xca: {  	v60 =	vld [tilespmem:s14+$0xFFFFFFF0];
	vm7 =	vgt.s32 v27, v5;
	vm8 =	vgt.s32 v28, v5;
	v27 =	vsub.f32 v0, v26  }
0xcb: {  	v34 =	vld [tilespmem:s17+$0xFFFFFFC0];
	v61 =	vmul.f32 v26, v3;
	v19 =	vmul.f32 v19, v2;
	v33 =	vsub.f32 v0, v30  }
0xcc: {  	v37 =	vld [tilespmem:s14+$0xFFFFFFC0];
	v35 =	vsub.f32 v0, v32;
	v36 =	vmul.f32 v30, v3;
	v20 =	vmul.f32 v20, v2  }
0xcd: {  	v40 =	vld [tilespmem:s14+$0xFFFFFFD0];
	v38 =	vmul.f32 v32, v3;
	v21 =	vmul.f32 v21, v2;
	v39 =	vsub.f32 v0, v58  }
0xce: {  	v42 =	vld [tilespmem:s17+$0xFFFFFFD0];
	v41 =	vmul.f32 v58, v3;
	v22 =	vmul.f32 v22, v2;
	v26 =	vsub.f32 v26, v2  }
0xcf: {  	v23 =	vld [tilespmem:s17+$0xFFFFFFF0];
	v43 =	vsub.f32 v0, v59;
	v44 =	vmul.f32 v59, v3;
	v30 =	vsub.f32 v30, v2  }
0xd0: {  	v31 =	vmul.f32 v31, v2;
	v45 =	vsub.f32 v0, v60;
	v46 =	vmul.f32 v60, v3  }
0xd1: {  	v32 =	vsub.f32 v32, v2;
	v24 =	vsub.f32 v58, v2;
	v47 =	vmul.f32 v37, v3  }
0xd2: {  	v34 =	vmul.f32 v34, v2;
	v25 =	vsub.f32 v59, v2;
	v48 =	vsub.f32 v37, v2  }
0xd3: {  	v49 =	vmul.f32 v40, v3;
	v28 =	vsub.f32 v60, v2;
	v50 =	vsub.f32 v40, v2  }
0xd4: {  	v42 =	vmul.f32 v42, v2;
	v37 =	vsub.f32 v0, v37;
	v23 =	vmul.f32 v23, v2  }
0xd5: {  	v29 =	vmul.f32 v26, v2;
	v20 =	vsub.f32 v36, v20;
	v36 =	vmul.f32 v30, v2  }
0xd6: {  	v21 =	vsub.f32 v38, v21;
	v38 =	vmul.f32 v32, v2;
	v51 =	vmul.f32 v24, v2  }
0xd7: {  	v19 =	vsub.f32 v61, v19;
	v52 =	vmul.f32 v25, v2;
	v53 =	vmul.f32 v28, v2  }
0xd8: {  	v22 =	vsub.f32 v41, v22;
	v41 =	vmul.f32 v48, v2;
	v54 =	vmul.f32 v50, v2  }
0xd9: {  	v31 =	vsub.f32 v44, v31;
	v62 =	vmul.f32 v19, v19;
	v63 =	vmul.f32 v20, v20  }
0xda: {  	v34 =	vsub.f32 v47, v34;
	v60 =	vmul.f32 v21, v21;
	v55 =	vmul.f32 v22, v22  }
0xdb: {  	v42 =	vsub.f32 v49, v42;
	v61 =	vmul.f32 v31, v31;
	v29 =	vmul.f32 v29, v27  }
0xdc: {  	v40 =	vsub.f32 v0, v40;
	v36 =	vmul.f32 v36, v33;
	v57 =	vmul.f32 v34, v34  }
0xdd: {  	v23 =	vsub.f32 v46, v23;
	v58 =	vmul.f32 v42, v42;
	v38 =	vmul.f32 v38, v35  }
0xde: {  	v51 =	vmul.f32 v51, v39;
	v19 =	vsub.f32 v4, v19;
	v52 =	vmul.f32 v52, v43  }
0xdf: {  	v53 =	vmul.f32 v53, v45;
	v20 =	vsub.f32 v4, v20;
	v41 =	vmul.f32 v41, v37  }
0xe0: {  	v54 =	vmul.f32 v54, v40;
	v21 =	vsub.f32 v4, v21;
	v56 =	vmul.f32 v23, v23  }
0xe1: {  	v22 =	vsub.f32 v4, v22;
	v27 =	vmul.f32 v62, v27;
	v33 =	vmul.f32 v63, v33  }
0xe2: {  	v31 =	vsub.f32 v4, v31;
	v35 =	vmul.f32 v60, v35;
	v39 =	vmul.f32 v55, v39  }
0xe3: {  	v34 =	vsub.f32 v4, v34;
	v44 =	vmul.f32 v19, v19;
	v46 =	vmul.f32 v20, v20  }
0xe4: {  	v42 =	vsub.f32 v4, v42;
	v43 =	vmul.f32 v61, v43;
	v47 =	vmul.f32 v21, v21  }
0xe5: {  	v23 =	vsub.f32 v4, v23;
	(erf) = vrcp.f32 v29;
	v49 =	vmul.f32 v22, v22  }
0xe6: {  	vm10 =	veq.f32 v29, $0.0e+00;
	v29 =	vmul.f32 v57, v37;
	vm11 =	veq.f32 v36, $0.0e+00  }
0xe7: {  	vm13 =	veq.f32 v38, $0.0e+00;
	v60 =	vmul.f32 v34, v34;
	v59 =	vmul.f32 v42, v42  }
0xe8: {  	vm12 =	veq.f32 v51, $0.0e+00;
	v45 =	vmul.f32 v56, v45;
	(erf) = vrcp.f32 v36  }
0xe9: {  	s15 =	sadd.s32 $0x340, s15;
	vm14 =	veq.f32 v52, $0.0e+00;
	v36 =	vmul.f32 v58, v40;
	(erf) = vrcp.f32 v38  }
0xea: {  	v62 =	vld [tilespmem:s15+$0x20];
	vm15 =	veq.f32 v53, $0.0e+00;
	v38 =	vmul.f32 v31, v31;
	v26 =	vmul.f32 v44, v26  }
0xeb: {  	v63 =	vld [tilespmem:s15+$0x30];
	vm0 =	veq.f32 v41, $0.0e+00;
	v30 =	vmul.f32 v46, v30;
	v32 =	vmul.f32 v47, v32  }
0xec: {  	v61 =	vld [tilespmem:s15+$0xFFFFFFF0];
	vm1 =	veq.f32 v54, $0.0e+00;
	v24 =	vmul.f32 v49, v24;
	v47 =	vmul.f32 v60, v48  }
0xed: {  	v40 =	vld [tilespmem:s15+$0x0];
	v48 =	vmul.f32 v59, v50;
	(erf) = vrcp.f32 v51;
	v26 =	vadd.f32 v26, v27  }
0xee: {  	v56 =	vld [tilespmem:s15+$0x10];
	(erf) = vrcp.f32 v52;
	v49 =	vadd.f32 v30, v33;
	v50 =	vadd.f32 v32, v35  }
0xef: {  	v52 =	vmul.f32 v23, v23;
	v24 =	vadd.f32 v24, v39;
	v29 =	vadd.f32 v47, v29  }
0xf0: {  	v51 =	vld [tilespmem:s15+$0xFFFFFFE0];
	v25 =	vmul.f32 v38, v25;
	v19 =	vsub.f32 v62, v19;
	v20 =	vsub.f32 v63, v20  }
0xf1: {  	(erf) = vrcp.f32 v53;
	v23 =	vsub.f32 v61, v23;
	v53 =	vadd.f32 v48, v36  }
0xf2: {  	v62 =	vld [tilespmem:s15+$0xFFFFFFC0];
	(erf) = vrcp.f32 v41;
	v21 =	vsub.f32 v40, v21;
	v28 =	vmul.f32 v52, v28  }
0xf3: {  	v63 =	vld [tilespmem:s15+$0xFFFFFFD0];
	v22 =	vsub.f32 v56, v22;
	(erf) = vrcp.f32 v54;
	v19 =	vmul.f32 v19, v19  }
0xf4: {  	v25 =	vadd.f32 v25, v43;
	v20 =	vmul.f32 v20, v20;
	v23 =	vmul.f32 v23, v23  }
0xf5: {  	v31 =	vsub.f32 v51, v31;
	v21 =	vmul.f32 v21, v21;
	v22 =	vmul.f32 v22, v22  }
0xf6: {  	v28 =	vadd.f32 v28, v45;
	v19 =	vmul.f32 v19, v2;
	v20 =	vmul.f32 v20, v2  }
0xf7: {  	v23 =	vmul.f32 v23, v2;
	v34 =	vsub.f32 v62, v34;
	v31 =	vmul.f32 v31, v31  }
0xf8: {  	v51 =	vpop (erf);
	v37 =	vsub.f32 v63, v42;
	v21 =	vmul.f32 v21, v2;
	v22 =	vmul.f32 v22, v2  }
0xf9: {  	v52 =	vpop (erf);
	v19 =	vadd.f32 v19, v26;
	v20 =	vadd.f32 v20, v49;
	v34 =	vmul.f32 v34, v34  }
0xfa: {  	v55 =	vpop (erf);
	v37 =	vmul.f32 v37, v37;
	v31 =	vmul.f32 v31, v2;
	v21 =	vadd.f32 v21, v50  }
0xfb: {  	v56 =	vpop (erf);
	v22 =	vadd.f32 v22, v24;
	v19 =	vmul.f32 v19, v51;
	v20 =	vmul.f32 v20, v52  }
0xfc: {  	v23 =	vadd.f32 v23, v28;
	v58 =	vpop (erf);
	v57 =	vmul.f32 v34, v2;
	v59 =	vmul.f32 v37, v2  }
0xfd: {  	v25 =	vadd.f32 v31, v25;
	v60 =	vpop (erf);
	v21 =	vmul.f32 v21, v55;
	v22 =	vmul.f32 v22, v56  }
0xfe: {  	v23 =	vmul.f32 v23, v60;
	v19 =	vsel vm10, $0x0, v19;
	v20 =	vsel vm11, $0x0, v20  }
0xff: {  	v61 =	vpop (erf);
	v27 =	vadd.f32 v57, v29;
	v30 =	vadd.f32 v59, v53;
	v24 =	vmul.f32 v25, v58  }
0x100: {  	v62 =	vpop (erf);
	v21 =	vsel vm13, $0x0, v21;
	v22 =	vsel vm12, $0x0, v22;
	v19 =	vnsel vm5, $0xBF800000, v19  }
0x101: {  	v20 =	vnsel vm2, $0xBF800000, v20;
	v63 =	vmul.f32 v27, v61;
	v26 =	vmul.f32 v30, v62  }
0x102: {  	v23 =	vsel vm15, $0x0, v23;
	v21 =	vnsel vm6, $0xBF800000, v21;
	v22 =	vnsel vm9, $0xBF800000, v22  }
0x103: {  	v24 =	vsel vm14, $0x0, v24;
	v25 =	vsel vm0, $0x0, v63;
	v26 =	vsel vm1, $0x0, v26  }
0x104: {  	s16 =	sadd.s32 $0x8, s16;
	v23 =	vnsel vm3, $0xBF800000, v23;
	v25 =	vnsel vm7, $0xBF800000, v25;
	v26 =	vnsel vm8, $0xBF800000, v26  }
0x105: {  	p0 =	slt.u32 s16, s12;
	v24 =	vnsel vm4, $0xBF800000, v24;
	vm0 =	vgt.f32 v25, v11;
	vm1 =	vgt.f32 v26, v13  }
.Ltmp3:
0x106: {  	v11 =	vsel vm0, v25, v11;
	v13 =	vsel vm1, v26, v13;
	v12 =	vsel vm1, v18, v12;
	(pc) =	sbr.rel @!p0 .LBB2_11-.Ltmp3, $4  }
0x107: {  	v10 =	vsel vm0, v17, v10;
	vm0 =	vgt.f32 v24, v11;
	vm1 =	vgt.f32 v23, v13  }
0x108: {  	v11 =	vsel vm0, v24, v11;
	v13 =	vsel vm1, v23, v13;
	v16 =	vsel vm1, v16, v12  }
0x109: {  	v10 =	vsel vm0, v15, v10;
	vm2 =	vgt.f32 v21, v11;
	vm0 =	vgt.f32 v22, v13  }
0x10a: {  	s17 =	sadd.s32 $0x80, s17;
	v11 =	vsel vm2, v21, v11;
	v12 =	vsel vm0, v22, v13;
	v13 =	vsel vm0, v14, v16  }
.LBB2_10:
0x10b: {  	v21 =	vld [tilespmem:s17+$0x20];
	v9 =	vsel vm2, v9, v10;
	vm0 =	vgt.f32 v19, v11;
	vm1 =	vgt.f32 v20, v12  }
0x10c: {  	s13 =	sadd.s32 $0x80, s13;
	v22 =	vld [tilespmem:s17+$0x30];
	v10 =	vsel vm0, v19, v11;
	v11 =	vsel vm1, v20, v12;
	v12 =	vsel vm1, v7, v13  }
0x10d: {  	s14 =	sadd.s32 $0x80, s14;
	s18 =	sadd.s32 $0xFFFFFFF0, s13;
	v7 =	vor.u32 s13, v1;
	v13 =	vsel vm0, v8, v9;
	v19 =	vld [tilespmem:s17+$0x0]  }
0x10e: {  	s19 =	sadd.s32 $0xFFFFFFB0, s13;
	s20 =	sadd.s32 $0xFFFFFFD0, s13;
	s21 =	sadd.s32 $0xFFFFFFE0, s13;
	v17 =	vor.u32 s18, v1;
	vm2 =	vgt.s32 v7, v5;
	v7 =	vadd.s32 v6, v7;
	v20 =	vld [tilespmem:s17+$0x10]  }
0x10f: {  	s22 =	sadd.s32 $0xFFFFFFA0, s13;
	s18 =	sadd.s32 $0xFFFFFF90, s13;
	v23 =	vor.u32 s19, v1;
	s19 =	sadd.s32 $0xFFFFFFC0, s13;
	v24 =	vor.u32 s20, v1;
	v25 =	vor.u32 s21, v1;
	v26 =	vld [tilespmem:s14+$0x20]  }
0x110: {  	v28 =	vor.u32 s22, v1;
	v27 =	vor.u32 s18, v1;
	v29 =	vor.u32 s19, v1;
	v30 =	vld [tilespmem:s14+$0x30]  }
0x111: {  	v9 =	vadd.s32 v6, v24;
	v14 =	vadd.s32 v6, v25;
	v8 =	vadd.s32 v6, v17;
	v31 =	vld [tilespmem:s17+$0xFFFFFFE0]  }
0x112: {  	v15 =	vadd.s32 v6, v23;
	vm5 =	vgt.s32 v17, v5;
	v16 =	vadd.s32 v6, v29;
	v32 =	vld [tilespmem:s14+$0x0]  }
0x113: {  	v18 =	vadd.s32 v6, v28;
	vm6 =	vgt.s32 v24, v5;
	v17 =	vadd.s32 v6, v27;
	v24 =	vld [tilespmem:s14+$0x10]  }
0x114: {  	vm4 =	vgt.s32 v23, v5;
	vm9 =	vgt.s32 v25, v5;
	vm3 =	vgt.s32 v29, v5;
	v23 =	vld [tilespmem:s17+$0xFFFFFFF0]  }
0x115: {  	vm8 =	vgt.s32 v28, v5;
	vm7 =	vgt.s32 v27, v5;
	v33 =	vsub.f32 v0, v26;
	v29 =	vld [tilespmem:s14+$0xFFFFFFE0]  }
0x116: {  	v21 =	vmul.f32 v21, v2;
	v35 =	vmul.f32 v26, v3;
	v36 =	vsub.f32 v0, v30;
	v34 =	vld [tilespmem:s14+$0xFFFFFFF0]  }
0x117: {  	v22 =	vmul.f32 v22, v2;
	v39 =	vmul.f32 v30, v3;
	v37 =	vld [tilespmem:s17+$0xFFFFFFC0];
	v38 =	vsub.f32 v0, v32  }
0x118: {  	v42 =	vmul.f32 v19, v2;
	v41 =	vmul.f32 v32, v3;
	v40 =	vld [tilespmem:s14+$0xFFFFFFC0];
	v43 =	vsub.f32 v0, v24  }
0x119: {  	v46 =	vmul.f32 v20, v2;
	v26 =	vsub.f32 v26, v2;
	v45 =	vmul.f32 v24, v3;
	v44 =	vld [tilespmem:s14+$0xFFFFFFD0]  }
0x11a: {  	v27 =	vsub.f32 v30, v2;
	v47 =	vld [tilespmem:s17+$0xFFFFFFD0];
	v48 =	vsub.f32 v0, v29;
	v49 =	vmul.f32 v29, v3  }
0x11b: {  	v30 =	vmul.f32 v31, v2;
	v31 =	vsub.f32 v0, v34;
	v50 =	vmul.f32 v34, v3  }
0x11c: {  	v28 =	vsub.f32 v32, v2;
	v25 =	vsub.f32 v24, v2;
	v51 =	vmul.f32 v23, v2  }
0x11d: {  	v24 =	vsub.f32 v29, v2;
	v37 =	vmul.f32 v37, v2;
	v32 =	vmul.f32 v40, v3  }
0x11e: {  	v23 =	vsub.f32 v34, v2;
	v20 =	vsub.f32 v40, v2;
	v29 =	vmul.f32 v44, v3  }
0x11f: {  	v21 =	vsub.f32 v35, v21;
	v19 =	vsub.f32 v44, v2;
	v34 =	vmul.f32 v47, v2  }
0x120: {  	v35 =	vmul.f32 v26, v2;
	v22 =	vsub.f32 v39, v22;
	v39 =	vmul.f32 v27, v2  }
0x121: {  	v41 =	vsub.f32 v41, v42;
	v42 =	vmul.f32 v28, v2;
	v47 =	vmul.f32 v25, v2  }
0x122: {  	v45 =	vsub.f32 v45, v46;
	v52 =	vmul.f32 v24, v2;
	v53 =	vmul.f32 v23, v2  }
0x123: {  	v30 =	vsub.f32 v49, v30;
	v46 =	vmul.f32 v20, v2;
	v54 =	vmul.f32 v19, v2  }
0x124: {  	v49 =	vsub.f32 v50, v51;
	v50 =	vmul.f32 v21, v21;
	v51 =	vmul.f32 v22, v22  }
0x125: {  	v55 =	vmul.f32 v45, v45;
	v32 =	vsub.f32 v32, v37;
	v37 =	vmul.f32 v41, v41  }
0x126: {  	v56 =	vmul.f32 v49, v49;
	v29 =	vsub.f32 v29, v34;
	v34 =	vmul.f32 v30, v30  }
0x127: {  	v35 =	vmul.f32 v35, v33;
	v39 =	vmul.f32 v39, v36;
	v40 =	vsub.f32 v0, v40  }
0x128: {  	v44 =	vsub.f32 v0, v44;
	v57 =	vmul.f32 v32, v32;
	v58 =	vmul.f32 v29, v29  }
0x129: {  	v59 =	vsub.f32 v4, v21;
	v42 =	vmul.f32 v42, v38;
	v47 =	vmul.f32 v47, v43  }
0x12a: {  	v60 =	vsub.f32 v4, v22;
	v52 =	vmul.f32 v52, v48;
	v53 =	vmul.f32 v53, v31  }
0x12b: {  	v41 =	vsub.f32 v4, v41;
	v22 =	vmul.f32 v46, v40;
	v21 =	vmul.f32 v54, v44  }
0x12c: {  	v45 =	vsub.f32 v4, v45;
	v33 =	vmul.f32 v50, v33;
	v36 =	vmul.f32 v51, v36  }
0x12d: {  	v30 =	vsub.f32 v4, v30;
	v37 =	vmul.f32 v37, v38;
	v38 =	vmul.f32 v55, v43  }
0x12e: {  	v43 =	vsub.f32 v4, v49;
	v46 =	vmul.f32 v59, v59;
	v49 =	vmul.f32 v60, v60  }
0x12f: {  	v32 =	vsub.f32 v4, v32;
	v31 =	vmul.f32 v56, v31;
	v34 =	vmul.f32 v34, v48  }
0x130: {  	s15 =	sadd.s32 $0x80, s15;
	v29 =	vsub.f32 v4, v29;
	v48 =	vmul.f32 v41, v41;
	(erf) = vrcp.f32 v35  }
0x131: {  	vm10 =	veq.f32 v35, $0.0e+00;
	v50 =	vmul.f32 v45, v45;
	v51 =	vld [tilespmem:s15+$0x20];
	(erf) = vrcp.f32 v39  }
0x132: {  	vm11 =	veq.f32 v39, $0.0e+00;
	v35 =	vmul.f32 v57, v40;
	v40 =	vld [tilespmem:s15+$0x30];
	(erf) = vrcp.f32 v42  }
0x133: {  	vm13 =	veq.f32 v42, $0.0e+00;
	v39 =	vmul.f32 v58, v44;
	v44 =	vld [tilespmem:s15+$0x0];
	(erf) = vrcp.f32 v47  }
0x134: {  	vm12 =	veq.f32 v47, $0.0e+00;
	v42 =	vmul.f32 v30, v30;
	v54 =	vld [tilespmem:s15+$0x10];
	(erf) = vrcp.f32 v52  }
0x135: {  	vm14 =	veq.f32 v52, $0.0e+00;
	v52 =	vmul.f32 v43, v43;
	v47 =	vld [tilespmem:s15+$0xFFFFFFE0];
	(erf) = vrcp.f32 v53  }
0x136: {  	v55 =	vmul.f32 v32, v32;
	v56 =	vld [tilespmem:s15+$0xFFFFFFF0];
	v51 =	vsub.f32 v51, v59;
	(erf) = vrcp.f32 v22  }
0x137: {  	s16 =	sadd.s32 $0x8, s16;
	v58 =	vmul.f32 v29, v29;
	v57 =	vld [tilespmem:s15+$0xFFFFFFC0];
	v40 =	vsub.f32 v40, v60;
	(erf) = vrcp.f32 v21  }
0x138: {  	p0 =	slt.u32 s16, s12;
	v26 =	vmul.f32 v46, v26;
	v59 =	vld [tilespmem:s15+$0xFFFFFFD0];
	v41 =	vsub.f32 v44, v41;
	v44 =	vmul.f32 v51, v51  }
0x139: {  	v27 =	vmul.f32 v49, v27;
	v45 =	vsub.f32 v54, v45;
	v40 =	vmul.f32 v40, v40;
	v46 =	vpop (erf)  }
0x13a: {  	v28 =	vmul.f32 v48, v28;
	v30 =	vsub.f32 v47, v30;
	v41 =	vmul.f32 v41, v41;
	v47 =	vpop (erf)  }
0x13b: {  	v25 =	vmul.f32 v50, v25;
	v43 =	vsub.f32 v56, v43;
	v45 =	vmul.f32 v45, v45;
	v48 =	vpop (erf)  }
0x13c: {  	v24 =	vmul.f32 v42, v24;
	v32 =	vsub.f32 v57, v32;
	v30 =	vmul.f32 v30, v30;
	v42 =	vpop (erf)  }
0x13d: {  	v23 =	vmul.f32 v52, v23;
	v29 =	vsub.f32 v59, v29;
	v43 =	vmul.f32 v43, v43;
	v49 =	vpop (erf)  }
0x13e: {  	vm15 =	veq.f32 v53, $0.0e+00;
	v20 =	vmul.f32 v55, v20;
	v32 =	vmul.f32 v32, v32;
	v50 =	vpop (erf)  }
0x13f: {  	v26 =	vadd.f32 v26, v33;
	v19 =	vmul.f32 v58, v19;
	v29 =	vmul.f32 v29, v29;
	v33 =	vpop (erf)  }
0x140: {  	v27 =	vadd.f32 v27, v36;
	v44 =	vmul.f32 v44, v2;
	v36 =	vmul.f32 v40, v2;
	v40 =	vpop (erf)  }
0x141: {  	v25 =	vadd.f32 v25, v38;
	v28 =	vadd.f32 v28, v37;
	v37 =	vmul.f32 v41, v2  }
0x142: {  	v24 =	vadd.f32 v24, v34;
	v23 =	vadd.f32 v23, v31;
	v31 =	vmul.f32 v45, v2  }
0x143: {  	v20 =	vadd.f32 v20, v35;
	v19 =	vadd.f32 v19, v39;
	v30 =	vmul.f32 v30, v2  }
0x144: {  	v26 =	vadd.f32 v44, v26;
	v27 =	vadd.f32 v36, v27;
	v34 =	vmul.f32 v43, v2  }
0x145: {  	v28 =	vadd.f32 v37, v28;
	v25 =	vadd.f32 v31, v25;
	v32 =	vmul.f32 v32, v2  }
0x146: {  	v24 =	vadd.f32 v30, v24;
	v29 =	vmul.f32 v29, v2;
	v23 =	vadd.f32 v34, v23  }
0x147: {  	v26 =	vmul.f32 v26, v46;
	v27 =	vmul.f32 v27, v47;
	v20 =	vadd.f32 v32, v20  }
0x148: {  	v28 =	vmul.f32 v28, v48;
	v25 =	vmul.f32 v25, v42;
	v19 =	vadd.f32 v29, v19  }
0x149: {  	vm0 =	veq.f32 v22, $0.0e+00;
	v22 =	vmul.f32 v24, v49;
	v23 =	vmul.f32 v23, v50  }
0x14a: {  	vm1 =	veq.f32 v21, $0.0e+00;
	v20 =	vmul.f32 v20, v33;
	v19 =	vmul.f32 v19, v40  }
0x14b: {  	v21 =	vsel vm13, $0x0, v28;
	v24 =	vsel vm10, $0x0, v26;
	v26 =	vsel vm11, $0x0, v27  }
0x14c: {  	v25 =	vsel vm12, $0x0, v25;
	v22 =	vsel vm14, $0x0, v22;
	v23 =	vsel vm15, $0x0, v23  }
0x14d: {  	v27 =	vsel vm0, $0x0, v20;
	v28 =	vsel vm1, $0x0, v19;
	v19 =	vnsel vm5, $0xBF800000, v24  }
0x14e: {  	v21 =	vnsel vm6, $0xBF800000, v21;
	v20 =	vnsel vm2, $0xBF800000, v26;
	v24 =	vnsel vm9, $0xBF800000, v25  }
0x14f: {  	v22 =	vnsel vm4, $0xBF800000, v22;
	v25 =	vnsel vm7, $0xBF800000, v27;
	v26 =	vnsel vm8, $0xBF800000, v28  }
0x150: {  	v23 =	vnsel vm3, $0xBF800000, v23;
	vm0 =	vgt.f32 v25, v10;
	vm1 =	vgt.f32 v26, v11  }
.Ltmp4:
0x151: {  	v10 =	vsel vm0, v25, v10;
	v11 =	vsel vm1, v26, v11;
	v12 =	vsel vm1, v18, v12;
	(pc) =	sbr.rel @p0 .LBB2_10-.Ltmp4, $4  }
0x152: {  	v13 =	vsel vm0, v17, v13;
	vm0 =	vgt.f32 v22, v10;
	vm1 =	vgt.f32 v23, v11  }
0x153: {  	v17 =	vsel vm0, v22, v10;
	v18 =	vsel vm1, v23, v11;
	v16 =	vsel vm1, v16, v12  }
0x154: {  	v10 =	vsel vm0, v15, v13;
	vm2 =	vgt.f32 v21, v17;
	vm0 =	vgt.f32 v24, v18  }
0x155: {  	s17 =	sadd.s32 $0x80, s17;
	v11 =	vsel vm2, v21, v17;
	v12 =	vsel vm0, v24, v18;
	v13 =	vsel vm0, v14, v16  }
.LBB2_11:
.Ltmp5:
0x156: {  	(pc) =	sbr.rel .LBB2_3-.Ltmp5, $4  }
0x157: {  	_ = 	snop  }
0x158: {  	vm0 =	vgt.f32 v19, v11  }
0x159: {  	v9 =	vsel vm2, v9, v10;
	vm1 =	vgt.f32 v20, v12;
	v11 =	vsel vm0, v19, v11  }
0x15a: {  	v6 =	vsel vm1, v20, v12;
	v7 =	vsel vm1, v7, v13;
	v10 =	vsel vm0, v8, v9  }
.LBB2_2:
0x15b: {  	v6 =	vimm.f32 $-2.000000000e+00;
	v7 =	vimm.s32 $0x40000000  }
.LBB2_3:
0x15c: {  	p0 =	sgt.s32 s12, $0xF  }
.Ltmp6:
0x15d: {  	_ = 	snop;
	(pc) =	sbr.rel @p0 .LBB2_6-.Ltmp6, $1  }
0x15e: {  	_ =	sdelay $0x3  }
0x15f: {  	s12 =	sand.u32 $0xFFFFFFFE, s8  }
0x160: {  	s13 =	ssub.s32 $0x10, s12  }
0x161: {  	s14 =	sshrl.u32 s13, $0x3  }
0x162: {  	s31 =	sshll.u32 s9, $0x8;
	s13 =	sand.u32 $0xFFFFFFF8, s13;
	s30 =	sshll.u32 s14, $0x9  }
0x163: {  	s12 =	sadd.s32 s12, s13;
	s14 =	sshll.u32 s14, $0x7;
	s11 =	sadd.s32 s11, s30  }
0x164: {  	s12 =	sadd.s32 $0xFFFFFFFE, s12;
	s10 =	sadd.s32 s10, s14;
	s13 =	sshra.s32 s11, $0x2  }
0x165: {  	v8 =	vmov s31;
	s9 =	sadd.s32 $0x210, s13;
	s11 =	sadd.s32 $0x310, s13;
	s13 =	sadd.s32 $0x110, s13  }
.LBB2_5:
0x166: {  	v9 =	vld [tilespmem:s13+$0xFFFFFFF0]  }
0x167: {  	v12 =	vld [tilespmem:s9+$0xFFFFFFF0]  }
0x168: {  	v13 =	vld [tilespmem:s13+$0x0];
	_ =	sdelay $0x1  }
0x169: {  	v14 =	vld [tilespmem:s9+$0x0];
	_ =	sdelay $0x1  }
0x16a: {  	v15 =	vsub.f32 v9, v2  }
0x16b: {  	v16 =	vmul.f32 v9, v3;
	v12 =	vmul.f32 v12, v2;
	v18 =	vsub.f32 v13, v2  }
0x16c: {  	v9 =	vsub.f32 v0, v9;
	v51 =	vmul.f32 v13, v3;
	v17 =	vmul.f32 v15, v2  }
0x16d: {  	v19 =	vld [tilespmem:s11+$0xFFFFFFF0];
	v14 =	vmul.f32 v14, v2;
	v13 =	vsub.f32 v0, v13;
	v20 =	vmul.f32 v18, v2  }
0x16e: {  	v22 =	vld [tilespmem:s11+$0x0];
	v12 =	vsub.f32 v16, v12;
	v17 =	vmul.f32 v17, v9  }
0x16f: {  	v14 =	vsub.f32 v51, v14;
	v52 =	vmul.f32 v20, v13  }
0x170: {  	v21 =	vmul.f32 v12, v12;
	v12 =	vsub.f32 v4, v12;
	(erf) = vrcp.f32 v17  }
0x171: {  	v53 =	vsub.f32 v4, v14;
	v14 =	vmul.f32 v14, v14;
	(erf) = vrcp.f32 v52  }
0x172: {  	v9 =	vmul.f32 v21, v9;
	v19 =	vsub.f32 v19, v12;
	v12 =	vmul.f32 v12, v12  }
0x173: {  	v54 =	vmul.f32 v53, v53;
	v55 =	vsub.f32 v22, v53;
	v13 =	vmul.f32 v14, v13  }
0x174: {  	v12 =	vmul.f32 v12, v15;
	v19 =	vmul.f32 v19, v19  }
0x175: {  	v56 =	vmul.f32 v54, v18;
	v15 =	vmul.f32 v55, v55  }
0x176: {  	v9 =	vadd.f32 v12, v9;
	v57 =	vmul.f32 v19, v2  }
0x177: {  	v58 =	vadd.f32 v56, v13;
	v59 =	vmul.f32 v15, v2  }
0x178: {  	v9 =	vadd.f32 v57, v9  }
0x179: {  	v12 =	vadd.f32 v59, v58;
	v60 =	vpop (erf)  }
0x17a: {  	v62 =	vor.u32 s10, v1;
	s12 =	sadd.s32 $0x2, s12;
	v9 =	vmul.f32 v9, v60;
	v61 =	vpop (erf)  }
0x17b: {  	s14 =	sadd.s32 $0x10, s10;
	vm13 =	vgt.s32 v62, v5;
	p0 =	slt.u32 s12, $0xE;
	vm0 =	veq.f32 v17, $0.0e+00;
	v12 =	vmul.f32 v12, v61  }
.Ltmp7:
0x17c: {  	v63 =	vor.u32 s14, v1;
	vm1 =	veq.f32 v52, $0.0e+00;
	v9 =	vsel vm0, $0x0, v9;
	(pc) =	sbr.rel @p0 .LBB2_5-.Ltmp7, $4  }
0x17d: {  	vm14 =	vgt.s32 v63, v5;
	v9 =	vnsel vm13, $0xBF800000, v9;
	v12 =	vsel vm1, $0x0, v12  }
0x17e: {  	v14 =	vadd.s32 v8, v62;
	vm15 =	vgt.f32 v9, v11;
	v12 =	vnsel vm14, $0xBF800000, v12  }
0x17f: {  	s10 =	sadd.s32 $0x20, s10;
	v11 =	vsel vm15, v9, v11;
	v9 =	vadd.s32 v8, v63;
	vm0 =	vgt.f32 v12, v6  }
0x180: {  	s9 =	sadd.s32 $0x20, s9;
	s11 =	sadd.s32 $0x20, s11;
	s13 =	sadd.s32 $0x20, s13;
	v10 =	vsel vm15, v14, v10;
	v6 =	vsel vm0, v12, v6;
	v7 =	vsel vm0, v9, v7  }
.Ltmp8:
0x181: {  	_ = 	snop;
	(pc) =	sbr.rel .LBB2_6-.Ltmp8, $1  }
0x182: {  	_ =	sdelay $0x3  }
.LBB2_7:
0x183: {  	s2 =	sshll.u32 s6, $0x5;
	[tilespmem:$0x400] =	vst v11  }
0x184: {  	[tilespmem:$0x410] =	vst v10;
	s4 =	simm.s32 $0x400;
	s2 =	sadd.s32 s2, s1  }
0x185: {  	[spmem:s2] =	stream.linear.scatter [tilespmem:s4], [sflag:$0x1], $0x20, $0x38;
	[tilespmem:$0x720] =	vst v63  }
0x186: {  	s2 =	simm.s32 $0x1  }
0x187: {  	_ =	swait.ge [sflag:s2], $0x20  }
0x188: {  	[sflag:s2] =	ssyncset.done $0x0  }
0x189: {  	[sflag:s2] =	ssyncadd.s32 $0xFFFFFFE0  }
0x18a: {  	p0 =	sne.s32 s6, $0x0;
	[bflag:$0x0] =	sbarrier.arrive $0xFFFF  }
0x18b: {  	_ =	sfence.sel @p0 $0x180000  }
0x18c: {  	[bflag:$0x0] =	sbarrier.arrive @p0 $0xFFFF  }
0x18d: {  	_ =	strace @p0 $0x90000047  }
0x18e: {  	[bflag:$0x2] =	sbarrier.arrive @p0 $0xFFFF  }
0x18f: {  	_ =	shalt @p0  }
.LBB2_8:
0x190: {  	s4 =	simm.s32 $0x4A0  }
0x191: {  	[tilespmem:s4], [sflag:$0x1] =	stream.linear.gather [spmem:s1], $0x200, $0x38;
	[tilespmem:$0x720] =	vst v63  }
0x192: {  	_ =	swait.ge [sflag:s2], $0x200  }
0x193: {  	[sflag:s2] =	ssyncset.done $0x0  }
0x194: {  	[sflag:s2] =	ssyncadd.s32 $0xFFFFFE00  }
0x195: {  	v0 =	vld [tilespmem:$0x4A0]  }
0x196: {  	v1 =	vld [tilespmem:$0x4B0]  }
0x197: {  	v2 =	vld [tilespmem:$0x4C0]  }
0x198: {  	v3 =	vld [tilespmem:$0x4D0];
	_ =	sdelay $0x2  }
0x199: {  	v4 =	vld [tilespmem:$0x4E0]  }
0x19a: {  	v5 =	vld [tilespmem:$0x4F0]  }
0x19b: {  	vm0 =	veq.f32 v2, v0;
	vm1 =	vlt.s32 v3, v1  }
0x19c: {  	vm7 =	vgt.f32 v2, v0;
	vm0 =	vmand vm0, vm1  }
0x19d: {  	v6 =	vld [tilespmem:$0x500];
	vm0 =	vmor vm7, vm0  }
0x19e: {  	v36 =	vld [tilespmem:$0x510];
	v0 =	vsel vm0, v2, v0;
	v1 =	vsel vm0, v3, v1  }
0x19f: {  	vm8 =	veq.f32 v4, v0;
	vm9 =	vlt.s32 v5, v1  }
0x1a0: {  	vm10 =	vgt.f32 v4, v0;
	vm0 =	vmand vm8, vm9  }
0x1a1: {  	v37 =	vld [tilespmem:$0x520];
	vm0 =	vmor vm10, vm0  }
0x1a2: {  	v38 =	vld [tilespmem:$0x530];
	v0 =	vsel vm0, v4, v0;
	v1 =	vsel vm0, v5, v1  }
0x1a3: {  	vm11 =	veq.f32 v6, v0;
	vm12 =	vlt.s32 v36, v1  }
0x1a4: {  	vm13 =	vgt.f32 v6, v0;
	vm0 =	vmand vm11, vm12  }
0x1a5: {  	v39 =	vld [tilespmem:$0x540];
	vm0 =	vmor vm13, vm0  }
0x1a6: {  	v40 =	vld [tilespmem:$0x550];
	v0 =	vsel vm0, v6, v0;
	v1 =	vsel vm0, v36, v1  }
0x1a7: {  	vm14 =	veq.f32 v37, v0;
	vm15 =	vlt.s32 v38, v1  }
0x1a8: {  	vm4 =	vgt.f32 v37, v0;
	vm0 =	vmand vm14, vm15  }
0x1a9: {  	v41 =	vld [tilespmem:$0x560];
	vm0 =	vmor vm4, vm0  }
0x1aa: {  	v42 =	vld [tilespmem:$0x570];
	v0 =	vsel vm0, v37, v0;
	v1 =	vsel vm0, v38, v1  }
0x1ab: {  	vm5 =	veq.f32 v39, v0;
	vm6 =	vlt.s32 v40, v1  }
0x1ac: {  	vm7 =	vgt.f32 v39, v0;
	vm0 =	vmand vm5, vm6  }
0x1ad: {  	v43 =	vld [tilespmem:$0x580];
	vm0 =	vmor vm7, vm0  }
0x1ae: {  	v44 =	vld [tilespmem:$0x590];
	v0 =	vsel vm0, v39, v0;
	v1 =	vsel vm0, v40, v1  }
0x1af: {  	vm8 =	veq.f32 v41, v0;
	vm9 =	vlt.s32 v42, v1  }
0x1b0: {  	vm10 =	vgt.f32 v41, v0;
	vm0 =	vmand vm8, vm9  }
0x1b1: {  	v45 =	vld [tilespmem:$0x5A0];
	vm0 =	vmor vm10, vm0  }
0x1b2: {  	v46 =	vld [tilespmem:$0x5B0];
	v0 =	vsel vm0, v41, v0;
	v1 =	vsel vm0, v42, v1  }
0x1b3: {  	vm11 =	veq.f32 v43, v0;
	vm12 =	vlt.s32 v44, v1  }
0x1b4: {  	vm13 =	vgt.f32 v43, v0;
	vm0 =	vmand vm11, vm12  }
0x1b5: {  	v47 =	vld [tilespmem:$0x5C0];
	vm0 =	vmor vm13, vm0  }
0x1b6: {  	v48 =	vld [tilespmem:$0x5D0];
	v0 =	vsel vm0, v43, v0;
	v1 =	vsel vm0, v44, v1  }
0x1b7: {  	vm14 =	veq.f32 v45, v0;
	vm15 =	vlt.s32 v46, v1  }
0x1b8: {  	vm4 =	vgt.f32 v45, v0;
	vm0 =	vmand vm14, vm15  }
0x1b9: {  	v49 =	vld [tilespmem:$0x5E0];
	vm0 =	vmor vm4, vm0  }
0x1ba: {  	v50 =	vld [tilespmem:$0x5F0];
	v0 =	vsel vm0, v45, v0;
	v1 =	vsel vm0, v46, v1  }
0x1bb: {  	vm5 =	veq.f32 v47, v0;
	vm6 =	vlt.s32 v48, v1  }
0x1bc: {  	vm7 =	vgt.f32 v47, v0;
	vm0 =	vmand vm5, vm6  }
0x1bd: {  	v51 =	vld [tilespmem:$0x600];
	vm0 =	vmor vm7, vm0  }
0x1be: {  	v52 =	vld [tilespmem:$0x610];
	v0 =	vsel vm0, v47, v0;
	v1 =	vsel vm0, v48, v1  }
0x1bf: {  	vm8 =	veq.f32 v49, v0;
	vm9 =	vlt.s32 v50, v1  }
0x1c0: {  	vm10 =	vgt.f32 v49, v0;
	vm0 =	vmand vm8, vm9  }
0x1c1: {  	v53 =	vld [tilespmem:$0x620];
	vm0 =	vmor vm10, vm0  }
0x1c2: {  	v54 =	vld [tilespmem:$0x630];
	v0 =	vsel vm0, v49, v0;
	v1 =	vsel vm0, v50, v1  }
0x1c3: {  	vm11 =	veq.f32 v51, v0;
	vm12 =	vlt.s32 v52, v1  }
0x1c4: {  	vm13 =	vgt.f32 v51, v0;
	vm0 =	vmand vm11, vm12  }
0x1c5: {  	v55 =	vld [tilespmem:$0x640];
	vm0 =	vmor vm13, vm0  }
0x1c6: {  	v56 =	vld [tilespmem:$0x650];
	v0 =	vsel vm0, v51, v0;
	v1 =	vsel vm0, v52, v1  }
0x1c7: {  	vm14 =	veq.f32 v53, v0;
	vm15 =	vlt.s32 v54, v1  }
0x1c8: {  	vm4 =	vgt.f32 v53, v0;
	vm0 =	vmand vm14, vm15  }
0x1c9: {  	v57 =	vld [tilespmem:$0x660];
	vm0 =	vmor vm4, vm0  }
0x1ca: {  	v58 =	vld [tilespmem:$0x670];
	v0 =	vsel vm0, v53, v0;
	v1 =	vsel vm0, v54, v1  }
0x1cb: {  	vm5 =	veq.f32 v55, v0;
	vm6 =	vlt.s32 v56, v1  }
0x1cc: {  	vm7 =	vgt.f32 v55, v0;
	vm0 =	vmand vm5, vm6  }
0x1cd: {  	v59 =	vld [tilespmem:$0x680];
	vm0 =	vmor vm7, vm0  }
0x1ce: {  	v60 =	vld [tilespmem:$0x690];
	v0 =	vsel vm0, v55, v0;
	v1 =	vsel vm0, v56, v1  }
0x1cf: {  	vm8 =	veq.f32 v57, v0;
	vm9 =	vlt.s32 v58, v1  }
0x1d0: {  	vm10 =	vgt.f32 v57, v0;
	vm0 =	vmand vm8, vm9  }
0x1d1: {  	vm0 =	vmor vm10, vm0  }
0x1d2: {  	v0 =	vsel vm0, v57, v0;
	v1 =	vsel vm0, v58, v1  }
0x1d3: {  	vm11 =	veq.f32 v59, v0;
	vm12 =	vlt.s32 v60, v1  }
0x1d4: {  	vm2 =	vgt.f32 v59, v0;
	vm0 =	vmand vm11, vm12  }
0x1d5: {  	vm0 =	vmor vm2, vm0  }
0x1d6: {  	v0 =	vsel vm0, v59, v0  }
0x1d7: {  	(xrf0) =	vmax.scan.msk.f32 $0xffff, v0;
	_ =	sdelay $0x5  }
0x1d8: {  	v61, _, _ =	vpop (xrf0)  }
0x1d9: {  	v3 =	vbroadcast v61, $0xF  }
0x1da: {  	v1 =	vsel vm0, v60, v1  }
0x1db: {  	v62 =	vxor.u32 $0x80000000, v1;
	vm13 =	veq.f32 v0, v3  }
0x1dc: {  	v0 =	vnsel vm13, $0xC0000000, v62  }
0x1dd: {  	(xrf0) =	vmin.scan.msk.u32 $0xffff, v0;
	_ =	sdelay $0x5  }
0x1de: {  	v0, _, _ =	vpop (xrf0)  }
0x1df: {  	(v2sf) =	vpush v0, $0xF;
	_ =	sdelay $0xe  }
0x1e0: {  	s28 =	spop (v2sf)  }
0x1e1: {  	s29 =	sshrl.u32 s28, $0x8  }
0x1e2: {  	s4 =	sxor.u32 $0x800000, s29  }
0x1e3: {  	s4 =	sadd.s32 $0xFFFFFFFF, s4  }
0x1e4: {  	vm14 =	vcmask $0x300;
	s1 =	sand.u32 $0xFF, s28;
	v63 =	vmov s4  }
0x1e5: {  	vm15 =	vcmask $0x704;
	s1 =	sadd.s32 $0xFFFFFFFF, s1;
	v0 =	vnsel vm14, $0x0, v63  }
0x1e6: {  	v0 =	vsel vm15, s1, v0  }
0x1e7: {  	s30 =	simm.s32 $0x0;
	s31 =	simm.s32 $0x6A0;
	[tilespmem:$0x6A0] =	vst v0  }
0x1e8: {  	[hbm4b:s3+s30] =	stream.linear.scatter [tilespmem:s31], [sflag:$0x1], $0x80, $0x38;
	[tilespmem:$0x720] =	vst v63  }
0x1e9: {  	_ =	swait.ge [sflag:s2], $0x80  }
0x1ea: {  	[sflag:s2] =	ssyncset.done $0x0  }
0x1eb: {  	[sflag:s2] =	ssyncadd.s32 $0xFFFFFF80  }
0x1ec: {  	_ =	sfence.sel $0x180000  }
0x1ed: {  	[bflag:$0x0] =	sbarrier.arrive $0xFFFF  }
0x1ee: {  	_ =	strace $0x90000047  }
0x1ef: {  	s0 =	sadd.s32 $0x100000, s0;
	[bflag:$0x2] =	sbarrier.arrive $0xFFFF  }
0x1f0: {  	[sflag:s0] =	ssyncadd.tile.s32 $0x1;
	_ =	shalt  }
.Lfunc_end2:
_tile_overlayer_lowered:
.L_overlay_start_2:
0x1f1: {  	(tag) =	ssettag $0x2  }
0x1f2: {  	s0 =	rddreg [dreg:$0x0];
	s2 =	stileid.u32  }
0x1f3: {  	s1 =	rddreg [dreg:$0x1];
	p0 =	sne.s32 s2, $0x0  }
0x1f4: {  	s3 =	rddreg [dreg:$0x2];
	[bflag:$0x3] =	sbarrier.arrive $0xFFFF;
	s2 =	simm.s32 @!p0 $0x1C01  }
0x1f5: {  	[timem:s3], [sflag:s2] =	dma.local @!p0 [hbm:s0], s1  }
0x1f6: {  	s0 =	simm.s32 @!p0 $0x1  }
0x1f7: {  	_ =	swait.ge @!p0 [sflag:s0], s1  }
0x1f8: {  	s1 =	ssub.s32 @!p0 $0x0, s1;
	[sflag:s0] =	ssyncset.done @!p0 $0x0  }
0x1f9: {  	[sflag:s0] =	ssyncadd.s32 @!p0 s1  }
0x1fa: {  	[bflag:$0x3] =	sbarrier.arrive $0xFFFF  }
0x1fb: {  	_ =	shalt  }

</sc_bundles>
